<compile_context>
chip_gen: v7x
topology: tpu7x:2x2x1
jax: 0.10.2.dev20260603
libtpu: 0.0.44.dev20260713+nightly
codegen_flags: <defaults>
</compile_context>

<pallas_src>
import functools

import jax
import jax.numpy as jnp
from jax import lax
from jax.experimental import pallas as pl
from jax.experimental.pallas import tpu as pltpu
from jax.experimental.pallas import tpu_sc as plsc

B = 4
S = 2048
H = 768
N_TOK = B * S
NW = 32
TOK_PER_W = N_TOK // NW
KB = 64
NB = TOK_PER_W // KB
HV = H // 16
EPS = 1e-12

BS_TC = 1024
S_BLKS = S // BS_TC

def _sc_gather_sum_body(word_hbm, ent_hbm, ids_hbm, eids_hbm, out_hbm,
                        idw, ide, wbuf, ebuf, semw, seme):
    wid = lax.axis_index("s") * 2 + lax.axis_index("c")
    base = wid * TOK_PER_W
    pltpu.sync_copy(ids_hbm.at[pl.ds(base, TOK_PER_W)], idw)
    pltpu.sync_copy(eids_hbm.at[pl.ds(base, TOK_PER_W)], ide)

    def do_block(b, carry):
        cw = pltpu.async_copy(word_hbm.at[idw.at[pl.ds(b * KB, KB)]], wbuf, semw)
        ce = pltpu.async_copy(ent_hbm.at[ide.at[pl.ds(b * KB, KB)]], ebuf, seme)
        cw.wait()
        ce.wait()

        def addrow(t, c2):
            for h in range(HV):
                sl = pl.ds(h * 16, 16)
                wbuf[t, sl] = wbuf[t, sl] + ebuf[t, sl]
            return c2

        lax.fori_loop(0, KB, addrow, 0)
        pltpu.sync_copy(wbuf, out_hbm.at[pl.ds(base + b * KB, KB)])
        return carry

    lax.fori_loop(0, NB, do_block, 0)


_sc_gather_sum = functools.partial(
    pl.kernel,
    out_type=jax.ShapeDtypeStruct((N_TOK, H), jnp.float32),
    mesh=plsc.VectorSubcoreMesh(core_axis_name="c", subcore_axis_name="s"),
    scratch_types=[
        pltpu.VMEM((TOK_PER_W,), jnp.int32),
        pltpu.VMEM((TOK_PER_W,), jnp.int32),
        pltpu.VMEM((KB, H), jnp.float32),
        pltpu.VMEM((KB, H), jnp.float32),
        pltpu.SemaphoreType.DMA,
        pltpu.SemaphoreType.DMA,
    ],
)(_sc_gather_sum_body)


def _ln_body(sum_ref, pos_ref, ttf_ref, type_ref, gamma_ref, beta_ref, out_ref):
    t0 = type_ref[0:1, :]
    t1 = type_ref[1:2, :]
    x = sum_ref[...] + pos_ref[...] + t0 + ttf_ref[...] * (t1 - t0)
    mu = jnp.mean(x, axis=-1, keepdims=True)
    xc = x - mu
    var = jnp.mean(xc * xc, axis=-1, keepdims=True)
    r = lax.rsqrt(var + EPS)
    out_ref[...] = xc * r * gamma_ref[...] + beta_ref[...]


def _tc_layernorm(ssum, pos_table, ttf, type_table, gamma, beta):
    nb = S // BS_TC
    return pl.pallas_call(
        _ln_body,
        grid=(S_BLKS, B),
        in_specs=[
            pl.BlockSpec((BS_TC, H), lambda s, b: (b * nb + s, 0)),
            pl.BlockSpec((BS_TC, H), lambda s, b: (s, 0)),
            pl.BlockSpec((BS_TC, 1), lambda s, b: (b * nb + s, 0)),
            pl.BlockSpec((2, H), lambda s, b: (0, 0)),
            pl.BlockSpec((1, H), lambda s, b: (0, 0)),
            pl.BlockSpec((1, H), lambda s, b: (0, 0)),
        ],
        out_specs=pl.BlockSpec((BS_TC, H), lambda s, b: (b * nb + s, 0)),
        out_shape=jax.ShapeDtypeStruct((N_TOK, H), jnp.float32),
    )(ssum, pos_table, ttf, type_table, gamma, beta)


def kernel(input_ids, token_type_ids, entity_ids, word_table, pos_table,
           type_table, entity_table, gamma, beta):
    ids = input_ids.reshape(-1).astype(jnp.int32)
    eids = entity_ids.reshape(-1).astype(jnp.int32)
    ttf = token_type_ids.reshape(-1, 1).astype(jnp.float32)
    ssum = _sc_gather_sum(word_table, entity_table, ids, eids)
    out = _tc_layernorm(ssum, pos_table, ttf, type_table,
                        gamma.reshape(1, H), beta.reshape(1, H))
    return out.reshape(B, S, H)

# --- scband reference (transcript-rebuilt; emitter-appended) ---
"""Pipeline reference for scband-ernie-embeddings-80075370266729 (READ-ONLY COPY).

The authoritative reference and input builder live on the scoring server;
editing this copy changes nothing except your own understanding.
"""

import jax, jax.numpy as jnp
import numpy as np

V = 100000   # vocab_size
H = 768      # hidden_size
P = 2048     # max_position_embeddings
T = 2        # type_vocab_size
EV = 100000  # entity_vocab_size
B = 4
S = 2048
EPS = 1e-12


def setup_inputs(seed: int = 0) -> dict:
    key = jax.random.key(seed)
    ks = jax.random.split(key, 8)
    input_ids = jax.random.randint(ks[0], (B, S), 0, V, dtype=jnp.int64 if jax.config.jax_enable_x64 else jnp.int32)
    token_type_ids = jax.random.randint(ks[1], (B, S), 0, T, dtype=input_ids.dtype)
    entity_ids = jax.random.randint(ks[2], (B, S), 0, EV, dtype=input_ids.dtype)
    word_table = jax.random.normal(ks[3], (V, H), dtype=jnp.float32) * 0.02
    pos_table = jax.random.normal(ks[4], (P, H), dtype=jnp.float32) * 0.02
    type_table = jax.random.normal(ks[5], (T, H), dtype=jnp.float32) * 0.02
    entity_table = jax.random.normal(ks[6], (EV, H), dtype=jnp.float32) * 0.02
    # padding_idx=0 rows are zero in torch nn.Embedding
    word_table = word_table.at[0].set(0.0)
    entity_table = entity_table.at[0].set(0.0)
    gamma = jnp.ones((H,), dtype=jnp.float32)
    beta = jnp.zeros((H,), dtype=jnp.float32)
    return {
        "input_ids": input_ids,
        "token_type_ids": token_type_ids,
        "entity_ids": entity_ids,
        "word_table": word_table,
        "pos_table": pos_table,
        "type_table": type_table,
        "entity_table": entity_table,
        "gamma": gamma,
        "beta": beta,
    }


def reference(input_ids, token_type_ids, entity_ids, word_table, pos_table, type_table, entity_table, gamma, beta):
    seq_len = input_ids.shape[1]
    position_ids = jnp.arange(seq_len)
    inputs_embeds = jnp.take(word_table, input_ids, axis=0)
    position_embeddings = jnp.take(pos_table, position_ids, axis=0)[None, :, :]
    token_type_embeddings = jnp.take(type_table, token_type_ids, axis=0)
    entity_embeddings = jnp.take(entity_table, entity_ids, axis=0)
    embeddings = inputs_embeds + position_embeddings + token_type_embeddings + entity_embeddings
    mu = jnp.mean(embeddings, axis=-1, keepdims=True)
    var = jnp.mean((embeddings - mu) ** 2, axis=-1, keepdims=True)
    out = (embeddings - mu) / jnp.sqrt(var + EPS) * gamma + beta
    # dropout is identity in eval mode
    return out

if __name__ == "__main__":
    import jax
    _d = setup_inputs()
    print(jax.jit(kernel)(*tuple(_d.values())))

</pallas_src>

<mosaic_0001>
#map = affine_map<(d0, d1) -> (0, 0)>
#map1 = affine_map<(d0, d1) -> (0)>
module attributes {stable_mosaic.version = 14 : i64} {
  func.func @_sc_gather_sum_body(%arg0: i32, %arg1: i32, %arg2: memref<100000x768xf32, #tpu.memory_space<hbm>>, %arg3: memref<100000x768xf32, #tpu.memory_space<hbm>>, %arg4: memref<8192xi32, #tpu.memory_space<hbm>>, %arg5: memref<8192xi32, #tpu.memory_space<hbm>>, %arg6: memref<8192x768xf32, #tpu.memory_space<hbm>>, %arg7: memref<256xi32, #tpu.memory_space<vmem>>, %arg8: memref<256xi32, #tpu.memory_space<vmem>>, %arg9: memref<64x768xf32, #tpu.memory_space<vmem>>, %arg10: memref<64x768xf32, #tpu.memory_space<vmem>>, %arg11: memref<!tpu.dma_semaphore, #tpu.memory_space<semaphore_mem>>, %arg12: memref<!tpu.dma_semaphore, #tpu.memory_space<semaphore_mem>>) attributes {dimension_semantics = [#tpu.dimension_semantics<core_parallel>, #tpu.dimension_semantics<subcore_parallel>], iteration_bounds = array<i64: 2, 16>, scalar_prefetch = 0 : i64, scratch_operands = 6 : i64, tpu.core_type = #tpu.core_type<sc_vector_subcore>, window_params = [{transform_indices = #map}, {transform_indices = #map}, {transform_indices = #map1}, {transform_indices = #map1}, {transform_indices = #map}]} {
    %mul3A = arith.constant 2 : i32
    %mul3A_0 = arith.muli %arg1, %mul3A : i32
    %add3A = arith.addi %mul3A_0, %arg0 : i32
    %mul3A_1 = arith.constant 256 : i32
    %mul3A_2 = arith.muli %add3A, %mul3A_1 : i32
    "tpu.region"() ({
      %run_scoped3A = tpu.sem_alloc : memref<!tpu.dma_semaphore, #tpu.memory_space<semaphore_mem>>
      %dma_start3A = tpu.memref_slice %arg4[%mul3A_2] : memref<8192xi32, #tpu.memory_space<hbm>> -> memref<256xi32, #tpu.memory_space<hbm>>
      %dma_start3A_8 = tpu.memref_slice %arg4[%mul3A_2] : memref<8192xi32, #tpu.memory_space<hbm>> -> memref<256xi32, #tpu.memory_space<hbm>>
      tpu.enqueue_dma source(%dma_start3A_8 : memref<256xi32, #tpu.memory_space<hbm>>) target(%arg7 : memref<256xi32, #tpu.memory_space<vmem>>) target_semaphore(%run_scoped3A : memref<!tpu.dma_semaphore, #tpu.memory_space<semaphore_mem>>)
      %dma_wait3A = tpu.memref_slice %arg4[%mul3A_2] : memref<8192xi32, #tpu.memory_space<hbm>> -> memref<256xi32, #tpu.memory_space<hbm>>
      %dma_wait3A_9 = tpu.memref_slice %arg4[%mul3A_2] : memref<8192xi32, #tpu.memory_space<hbm>> -> memref<256xi32, #tpu.memory_space<hbm>>
      tpu.wait_dma2 semaphore(%run_scoped3A : memref<!tpu.dma_semaphore, #tpu.memory_space<semaphore_mem>>) src(%dma_wait3A_9 : memref<256xi32, #tpu.memory_space<hbm>>) dst(%arg7 : memref<256xi32, #tpu.memory_space<vmem>>)
      tpu.yield
    }) : () -> ()
    "tpu.region"() ({
      %run_scoped3A = tpu.sem_alloc : memref<!tpu.dma_semaphore, #tpu.memory_space<semaphore_mem>>
      %dma_start3A = tpu.memref_slice %arg5[%mul3A_2] : memref<8192xi32, #tpu.memory_space<hbm>> -> memref<256xi32, #tpu.memory_space<hbm>>
      %dma_start3A_8 = tpu.memref_slice %arg5[%mul3A_2] : memref<8192xi32, #tpu.memory_space<hbm>> -> memref<256xi32, #tpu.memory_space<hbm>>
      tpu.enqueue_dma source(%dma_start3A_8 : memref<256xi32, #tpu.memory_space<hbm>>) target(%arg8 : memref<256xi32, #tpu.memory_space<vmem>>) target_semaphore(%run_scoped3A : memref<!tpu.dma_semaphore, #tpu.memory_space<semaphore_mem>>)
      %dma_wait3A = tpu.memref_slice %arg5[%mul3A_2] : memref<8192xi32, #tpu.memory_space<hbm>> -> memref<256xi32, #tpu.memory_space<hbm>>
      %dma_wait3A_9 = tpu.memref_slice %arg5[%mul3A_2] : memref<8192xi32, #tpu.memory_space<hbm>> -> memref<256xi32, #tpu.memory_space<hbm>>
      tpu.wait_dma2 semaphore(%run_scoped3A : memref<!tpu.dma_semaphore, #tpu.memory_space<semaphore_mem>>) src(%dma_wait3A_9 : memref<256xi32, #tpu.memory_space<hbm>>) dst(%arg8 : memref<256xi32, #tpu.memory_space<vmem>>)
      tpu.yield
    }) : () -> ()
    %scan3A = arith.constant 0 : i32
    %scan3A_3 = arith.constant 0 : i32
    %scan3A_4 = arith.constant 4 : i32
    %scan3A_5 = arith.addi %scan3A_3, %scan3A_4 : i32
    %scan3A_6 = arith.constant 1 : i32
    scf.for %scan3A_8 = %scan3A_3 to %scan3A_5 step %scan3A_6  : i32 {
      %mul3A_9 = arith.constant 64 : i32
      %mul3A_10 = arith.muli %scan3A_8, %mul3A_9 : i32
      %dma_start3A = tpu.memref_slice %arg7[%mul3A_10] : memref<256xi32, #tpu.memory_space<vmem>> -> memref<64xi32, #tpu.memory_space<vmem>>
      %dma_start3A_11 = arith.constant 0 : i32
      %dma_start3A_12 = arith.constant 0 : i32
      %dma_start3A_13 = tpu.memref_slice %arg2[%dma_start3A_11, %dma_start3A_12] : memref<100000x768xf32, #tpu.memory_space<hbm>> -> memref<100000x768xf32, #tpu.memory_space<hbm>>
      tpu.enqueue_indirect_dma source(%dma_start3A_13 : memref<100000x768xf32, #tpu.memory_space<hbm>>) target(%arg9 : memref<64x768xf32, #tpu.memory_space<vmem>>) offsets(%dma_start3A : memref<64xi32, #tpu.memory_space<vmem>>) semaphore(%arg11 : memref<!tpu.dma_semaphore, #tpu.memory_space<semaphore_mem>>)
      %mul3A_14 = arith.constant 64 : i32
      %mul3A_15 = arith.muli %scan3A_8, %mul3A_14 : i32
      %dma_start3A_16 = tpu.memref_slice %arg8[%mul3A_15] : memref<256xi32, #tpu.memory_space<vmem>> -> memref<64xi32, #tpu.memory_space<vmem>>
      %dma_start3A_17 = arith.constant 0 : i32
      %dma_start3A_18 = arith.constant 0 : i32
      %dma_start3A_19 = tpu.memref_slice %arg3[%dma_start3A_17, %dma_start3A_18] : memref<100000x768xf32, #tpu.memory_space<hbm>> -> memref<100000x768xf32, #tpu.memory_space<hbm>>
      tpu.enqueue_indirect_dma source(%dma_start3A_19 : memref<100000x768xf32, #tpu.memory_space<hbm>>) target(%arg10 : memref<64x768xf32, #tpu.memory_space<vmem>>) offsets(%dma_start3A_16 : memref<64xi32, #tpu.memory_space<vmem>>) semaphore(%arg12 : memref<!tpu.dma_semaphore, #tpu.memory_space<semaphore_mem>>)
      %dma_wait3A = tpu.memref_slice %arg7[%mul3A_10] : memref<256xi32, #tpu.memory_space<vmem>> -> memref<64xi32, #tpu.memory_space<vmem>>
      %dma_wait3A_20 = arith.constant 0 : i32
      %dma_wait3A_21 = arith.constant 0 : i32
      %dma_wait3A_22 = tpu.memref_slice %arg2[%dma_wait3A_20, %dma_wait3A_21] : memref<100000x768xf32, #tpu.memory_space<hbm>> -> memref<100000x768xf32, #tpu.memory_space<hbm>>
      tpu.wait_indirect_dma semaphore(%arg11 : memref<!tpu.dma_semaphore, #tpu.memory_space<semaphore_mem>>) src(%dma_wait3A_22 : memref<100000x768xf32, #tpu.memory_space<hbm>>) dst(%arg9 : memref<64x768xf32, #tpu.memory_space<vmem>>)
      %dma_wait3A_23 = tpu.memref_slice %arg8[%mul3A_15] : memref<256xi32, #tpu.memory_space<vmem>> -> memref<64xi32, #tpu.memory_space<vmem>>
      %dma_wait3A_24 = arith.constant 0 : i32
      %dma_wait3A_25 = arith.constant 0 : i32
      %dma_wait3A_26 = tpu.memref_slice %arg3[%dma_wait3A_24, %dma_wait3A_25] : memref<100000x768xf32, #tpu.memory_space<hbm>> -> memref<100000x768xf32, #tpu.memory_space<hbm>>
      tpu.wait_indirect_dma semaphore(%arg12 : memref<!tpu.dma_semaphore, #tpu.memory_space<semaphore_mem>>) src(%dma_wait3A_26 : memref<100000x768xf32, #tpu.memory_space<hbm>>) dst(%arg10 : memref<64x768xf32, #tpu.memory_space<vmem>>)
      %scan3A_27 = arith.constant 0 : i32
      %scan3A_28 = arith.constant 0 : i32
      %scan3A_29 = arith.constant 64 : i32
      %scan3A_30 = arith.addi %scan3A_28, %scan3A_29 : i32
      %scan3A_31 = arith.constant 1 : i32
      scf.for %scan3A_36 = %scan3A_28 to %scan3A_30 step %scan3A_31  : i32 {
        %get3A = arith.index_cast %scan3A_36 : i32 to index
        %get3A_37 = arith.constant 0 : index
        %get3A_38 = tpu.vector_load %arg9[%get3A, %get3A_37] {strides = array<i32>} : memref<64x768xf32, #tpu.memory_space<vmem>>, vector<1x16xf32>,
        %get3A_39 = vector.shape_cast %get3A_38 : vector<1x16xf32> to vector<16xf32>
        %get3A_40 = arith.index_cast %scan3A_36 : i32 to index
        %get3A_41 = arith.constant 0 : index
        %get3A_42 = tpu.vector_load %arg10[%get3A_40, %get3A_41] {strides = array<i32>} : memref<64x768xf32, #tpu.memory_space<vmem>>, vector<1x16xf32>,
        %get3A_43 = vector.shape_cast %get3A_42 : vector<1x16xf32> to vector<16xf32>
        %add3A_44 = arith.addf %get3A_39, %get3A_43 : vector<16xf32>
        %swap3A = arith.index_cast %scan3A_36 : i32 to index
        %swap3A_45 = arith.constant 0 : index
        %swap3A_46 = tpu.vector_load %arg9[%swap3A, %swap3A_45] {strides = array<i32>} : memref<64x768xf32, #tpu.memory_space<vmem>>, vector<1x16xf32>,
        %swap3A_47 = vector.shape_cast %swap3A_46 : vector<1x16xf32> to vector<16xf32>
        %swap3A_48 = vector.shape_cast %add3A_44 : vector<16xf32> to vector<1x16xf32>
        tpu.vector_store %arg9[%swap3A, %swap3A_45], %swap3A_48 {strides = array<i32>} : memref<64x768xf32, #tpu.memory_space<vmem>>, vector<1x16xf32>,
        %get3A_49 = arith.index_cast %scan3A_36 : i32 to index
        %get3A_50 = arith.constant 16 : index
        %get3A_51 = tpu.vector_load %arg9[%get3A_49, %get3A_50] {strides = array<i32>} : memref<64x768xf32, #tpu.memory_space<vmem>>, vector<1x16xf32>,
        %get3A_52 = vector.shape_cast %get3A_51 : vector<1x16xf32> to vector<16xf32>
        %get3A_53 = arith.index_cast %scan3A_36 : i32 to index
        %get3A_54 = arith.constant 16 : index
        %get3A_55 = tpu.vector_load %arg10[%get3A_53, %get3A_54] {strides = array<i32>} : memref<64x768xf32, #tpu.memory_space<vmem>>, vector<1x16xf32>,
        %get3A_56 = vector.shape_cast %get3A_55 : vector<1x16xf32> to vector<16xf32>
        %add3A_57 = arith.addf %get3A_52, %get3A_56 : vector<16xf32>
        %swap3A_58 = arith.index_cast %scan3A_36 : i32 to index
        %swap3A_59 = arith.constant 16 : index
        %swap3A_60 = tpu.vector_load %arg9[%swap3A_58, %swap3A_59] {strides = array<i32>} : memref<64x768xf32, #tpu.memory_space<vmem>>, vector<1x16xf32>,
        %swap3A_61 = vector.shape_cast %swap3A_60 : vector<1x16xf32> to vector<16xf32>
        %swap3A_62 = vector.shape_cast %add3A_57 : vector<16xf32> to vector<1x16xf32>
        tpu.vector_store %arg9[%swap3A_58, %swap3A_59], %swap3A_62 {strides = array<i32>} : memref<64x768xf32, #tpu.memory_space<vmem>>, vector<1x16xf32>,
        %get3A_63 = arith.index_cast %scan3A_36 : i32 to index
        %get3A_64 = arith.constant 32 : index
        %get3A_65 = tpu.vector_load %arg9[%get3A_63, %get3A_64] {strides = array<i32>} : memref<64x768xf32, #tpu.memory_space<vmem>>, vector<1x16xf32>,
        %get3A_66 = vector.shape_cast %get3A_65 : vector<1x16xf32> to vector<16xf32>
        %get3A_67 = arith.index_cast %scan3A_36 : i32 to index
        %get3A_68 = arith.constant 32 : index
        %get3A_69 = tpu.vector_load %arg10[%get3A_67, %get3A_68] {strides = array<i32>} : memref<64x768xf32, #tpu.memory_space<vmem>>, vector<1x16xf32>,
        %get3A_70 = vector.shape_cast %get3A_69 : vector<1x16xf32> to vector<16xf32>
        %add3A_71 = arith.addf %get3A_66, %get3A_70 : vector<16xf32>
        %swap3A_72 = arith.index_cast %scan3A_36 : i32 to index
        %swap3A_73 = arith.constant 32 : index
        %swap3A_74 = tpu.vector_load %arg9[%swap3A_72, %swap3A_73] {strides = array<i32>} : memref<64x768xf32, #tpu.memory_space<vmem>>, vector<1x16xf32>,
        %swap3A_75 = vector.shape_cast %swap3A_74 : vector<1x16xf32> to vector<16xf32>
        %swap3A_76 = vector.shape_cast %add3A_71 : vector<16xf32> to vector<1x16xf32>
        tpu.vector_store %arg9[%swap3A_72, %swap3A_73], %swap3A_76 {strides = array<i32>} : memref<64x768xf32, #tpu.memory_space<vmem>>, vector<1x16xf32>,
        %get3A_77 = arith.index_cast %scan3A_36 : i32 to index
        %get3A_78 = arith.constant 48 : index
        %get3A_79 = tpu.vector_load %arg9[%get3A_77, %get3A_78] {strides = array<i32>} : memref<64x768xf32, #tpu.memory_space<vmem>>, vector<1x16xf32>,
        %get3A_80 = vector.shape_cast %get3A_79 : vector<1x16xf32> to vector<16xf32>
        %get3A_81 = arith.index_cast %scan3A_36 : i32 to index
        %get3A_82 = arith.constant 48 : index
        %get3A_83 = tpu.vector_load %arg10[%get3A_81, %get3A_82] {strides = array<i32>} : memref<64x768xf32, #tpu.memory_space<vmem>>, vector<1x16xf32>,
        %get3A_84 = vector.shape_cast %get3A_83 : vector<1x16xf32> to vector<16xf32>
        %add3A_85 = arith.addf %get3A_80, %get3A_84 : vector<16xf32>
        %swap3A_86 = arith.index_cast %scan3A_36 : i32 to index
        %swap3A_87 = arith.constant 48 : index
        %swap3A_88 = tpu.vector_load %arg9[%swap3A_86, %swap3A_87] {strides = array<i32>} : memref<64x768xf32, #tpu.memory_space<vmem>>, vector<1x16xf32>,
        %swap3A_89 = vector.shape_cast %swap3A_88 : vector<1x16xf32> to vector<16xf32>
        %swap3A_90 = vector.shape_cast %add3A_85 : vector<16xf32> to vector<1x16xf32>
        tpu.vector_store %arg9[%swap3A_86, %swap3A_87], %swap3A_90 {strides = array<i32>} : memref<64x768xf32, #tpu.memory_space<vmem>>, vector<1x16xf32>,
        %get3A_91 = arith.index_cast %scan3A_36 : i32 to index
        %get3A_92 = arith.constant 64 : index
        %get3A_93 = tpu.vector_load %arg9[%get3A_91, %get3A_92] {strides = array<i32>} : memref<64x768xf32, #tpu.memory_space<vmem>>, vector<1x16xf32>,
        %get3A_94 = vector.shape_cast %get3A_93 : vector<1x16xf32> to vector<16xf32>
        %get3A_95 = arith.index_cast %scan3A_36 : i32 to index
        %get3A_96 = arith.constant 64 : index
        %get3A_97 = tpu.vector_load %arg10[%get3A_95, %get3A_96] {strides = array<i32>} : memref<64x768xf32, #tpu.memory_space<vmem>>, vector<1x16xf32>,
        %get3A_98 = vector.shape_cast %get3A_97 : vector<1x16xf32> to vector<16xf32>
        %add3A_99 = arith.addf %get3A_94, %get3A_98 : vector<16xf32>
        %swap3A_100 = arith.index_cast %scan3A_36 : i32 to index
        %swap3A_101 = arith.constant 64 : index
        %swap3A_102 = tpu.vector_load %arg9[%swap3A_100, %swap3A_101] {strides = array<i32>} : memref<64x768xf32, #tpu.memory_space<vmem>>, vector<1x16xf32>,
        %swap3A_103 = vector.shape_cast %swap3A_102 : vector<1x16xf32> to vector<16xf32>
        %swap3A_104 = vector.shape_cast %add3A_99 : vector<16xf32> to vector<1x16xf32>
        tpu.vector_store %arg9[%swap3A_100, %swap3A_101], %swap3A_104 {strides = array<i32>} : memref<64x768xf32, #tpu.memory_space<vmem>>, vector<1x16xf32>,
        %get3A_105 = arith.index_cast %scan3A_36 : i32 to index
        %get3A_106 = arith.constant 80 : index
        %get3A_107 = tpu.vector_load %arg9[%get3A_105, %get3A_106] {strides = array<i32>} : memref<64x768xf32, #tpu.memory_space<vmem>>, vector<1x16xf32>,
        %get3A_108 = vector.shape_cast %get3A_107 : vector<1x16xf32> to vector<16xf32>
        %get3A_109 = arith.index_cast %scan3A_36 : i32 to index
        %get3A_110 = arith.constant 80 : index
        %get3A_111 = tpu.vector_load %arg10[%get3A_109, %get3A_110] {strides = array<i32>} : memref<64x768xf32, #tpu.memory_space<vmem>>, vector<1x16xf32>,
        %get3A_112 = vector.shape_cast %get3A_111 : vector<1x16xf32> to vector<16xf32>
        %add3A_113 = arith.addf %get3A_108, %get3A_112 : vector<16xf32>
        %swap3A_114 = arith.index_cast %scan3A_36 : i32 to index
        %swap3A_115 = arith.constant 80 : index
        %swap3A_116 = tpu.vector_load %arg9[%swap3A_114, %swap3A_115] {strides = array<i32>} : memref<64x768xf32, #tpu.memory_space<vmem>>, vector<1x16xf32>,
        %swap3A_117 = vector.shape_cast %swap3A_116 : vector<1x16xf32> to vector<16xf32>
        %swap3A_118 = vector.shape_cast %add3A_113 : vector<16xf32> to vector<1x16xf32>
        tpu.vector_store %arg9[%swap3A_114, %swap3A_115], %swap3A_118 {strides = array<i32>} : memref<64x768xf32, #tpu.memory_space<vmem>>, vector<1x16xf32>,
        %get3A_119 = arith.index_cast %scan3A_36 : i32 to index
        %get3A_120 = arith.constant 96 : index
        %get3A_121 = tpu.vector_load %arg9[%get3A_119, %get3A_120] {strides = array<i32>} : memref<64x768xf32, #tpu.memory_space<vmem>>, vector<1x16xf32>,
        %get3A_122 = vector.shape_cast %get3A_121 : vector<1x16xf32> to vector<16xf32>
        %get3A_123 = arith.index_cast %scan3A_36 : i32 to index
        %get3A_124 = arith.constant 96 : index
        %get3A_125 = tpu.vector_load %arg10[%get3A_123, %get3A_124] {strides = array<i32>} : memref<64x768xf32, #tpu.memory_space<vmem>>, vector<1x16xf32>,
        %get3A_126 = vector.shape_cast %get3A_125 : vector<1x16xf32> to vector<16xf32>
        %add3A_127 = arith.addf %get3A_122, %get3A_126 : vector<16xf32>
        %swap3A_128 = arith.index_cast %scan3A_36 : i32 to index
        %swap3A_129 = arith.constant 96 : index
        %swap3A_130 = tpu.vector_load %arg9[%swap3A_128, %swap3A_129] {strides = array<i32>} : memref<64x768xf32, #tpu.memory_space<vmem>>, vector<1x16xf32>,
        %swap3A_131 = vector.shape_cast %swap3A_130 : vector<1x16xf32> to vector<16xf32>
        %swap3A_132 = vector.shape_cast %add3A_127 : vector<16xf32> to vector<1x16xf32>
        tpu.vector_store %arg9[%swap3A_128, %swap3A_129], %swap3A_132 {strides = array<i32>} : memref<64x768xf32, #tpu.memory_space<vmem>>, vector<1x16xf32>,
        %get3A_133 = arith.index_cast %scan3A_36 : i32 to index
        %get3A_134 = arith.constant 112 : index
        %get3A_135 = tpu.vector_load %arg9[%get3A_133, %get3A_134] {strides = array<i32>} : memref<64x768xf32, #tpu.memory_space<vmem>>, vector<1x16xf32>,
        %get3A_136 = vector.shape_cast %get3A_135 : vector<1x16xf32> to vector<16xf32>
        %get3A_137 = arith.index_cast %scan3A_36 : i32 to index
        %get3A_138 = arith.constant 112 : index
        %get3A_139 = tpu.vector_load %arg10[%get3A_137, %get3A_138] {strides = array<i32>} : memref<64x768xf32, #tpu.memory_space<vmem>>, vector<1x16xf32>,
        %get3A_140 = vector.shape_cast %get3A_139 : vector<1x16xf32> to vector<16xf32>
        %add3A_141 = arith.addf %get3A_136, %get3A_140 : vector<16xf32>
        %swap3A_142 = arith.index_cast %scan3A_36 : i32 to index
        %swap3A_143 = arith.constant 112 : index
        %swap3A_144 = tpu.vector_load %arg9[%swap3A_142, %swap3A_143] {strides = array<i32>} : memref<64x768xf32, #tpu.memory_space<vmem>>, vector<1x16xf32>,
        %swap3A_145 = vector.shape_cast %swap3A_144 : vector<1x16xf32> to vector<16xf32>
        %swap3A_146 = vector.shape_cast %add3A_141 : vector<16xf32> to vector<1x16xf32>
        tpu.vector_store %arg9[%swap3A_142, %swap3A_143], %swap3A_146 {strides = array<i32>} : memref<64x768xf32, #tpu.memory_space<vmem>>, vector<1x16xf32>,
        %get3A_147 = arith.index_cast %scan3A_36 : i32 to index
        %get3A_148 = arith.constant 128 : index
        %get3A_149 = tpu.vector_load %arg9[%get3A_147, %get3A_148] {strides = array<i32>} : memref<64x768xf32, #tpu.memory_space<vmem>>, vector<1x16xf32>,
        %get3A_150 = vector.shape_cast %get3A_149 : vector<1x16xf32> to vector<16xf32>
        %get3A_151 = arith.index_cast %scan3A_36 : i32 to index
        %get3A_152 = arith.constant 128 : index
        %get3A_153 = tpu.vector_load %arg10[%get3A_151, %get3A_152] {strides = array<i32>} : memref<64x768xf32, #tpu.memory_space<vmem>>, vector<1x16xf32>,
        %get3A_154 = vector.shape_cast %get3A_153 : vector<1x16xf32> to vector<16xf32>
        %add3A_155 = arith.addf %get3A_150, %get3A_154 : vector<16xf32>
        %swap3A_156 = arith.index_cast %scan3A_36 : i32 to index
        %swap3A_157 = arith.constant 128 : index
        %swap3A_158 = tpu.vector_load %arg9[%swap3A_156, %swap3A_157] {strides = array<i32>} : memref<64x768xf32, #tpu.memory_space<vmem>>, vector<1x16xf32>,
        %swap3A_159 = vector.shape_cast %swap3A_158 : vector<1x16xf32> to vector<16xf32>
        %swap3A_160 = vector.shape_cast %add3A_155 : vector<16xf32> to vector<1x16xf32>
        tpu.vector_store %arg9[%swap3A_156, %swap3A_157], %swap3A_160 {strides = array<i32>} : memref<64x768xf32, #tpu.memory_space<vmem>>, vector<1x16xf32>,
        %get3A_161 = arith.index_cast %scan3A_36 : i32 to index
        %get3A_162 = arith.constant 144 : index
        %get3A_163 = tpu.vector_load %arg9[%get3A_161, %get3A_162] {strides = array<i32>} : memref<64x768xf32, #tpu.memory_space<vmem>>, vector<1x16xf32>,
        %get3A_164 = vector.shape_cast %get3A_163 : vector<1x16xf32> to vector<16xf32>
        %get3A_165 = arith.index_cast %scan3A_36 : i32 to index
        %get3A_166 = arith.constant 144 : index
        %get3A_167 = tpu.vector_load %arg10[%get3A_165, %get3A_166] {strides = array<i32>} : memref<64x768xf32, #tpu.memory_space<vmem>>, vector<1x16xf32>,
        %get3A_168 = vector.shape_cast %get3A_167 : vector<1x16xf32> to vector<16xf32>
        %add3A_169 = arith.addf %get3A_164, %get3A_168 : vector<16xf32>
        %swap3A_170 = arith.index_cast %scan3A_36 : i32 to index
        %swap3A_171 = arith.constant 144 : index
        %swap3A_172 = tpu.vector_load %arg9[%swap3A_170, %swap3A_171] {strides = array<i32>} : memref<64x768xf32, #tpu.memory_space<vmem>>, vector<1x16xf32>,
        %swap3A_173 = vector.shape_cast %swap3A_172 : vector<1x16xf32> to vector<16xf32>
        %swap3A_174 = vector.shape_cast %add3A_169 : vector<16xf32> to vector<1x16xf32>
        tpu.vector_store %arg9[%swap3A_170, %swap3A_171], %swap3A_174 {strides = array<i32>} : memref<64x768xf32, #tpu.memory_space<vmem>>, vector<1x16xf32>,
        %get3A_175 = arith.index_cast %scan3A_36 : i32 to index
        %get3A_176 = arith.constant 160 : index
        %get3A_177 = tpu.vector_load %arg9[%get3A_175, %get3A_176] {strides = array<i32>} : memref<64x768xf32, #tpu.memory_space<vmem>>, vector<1x16xf32>,
        %get3A_178 = vector.shape_cast %get3A_177 : vector<1x16xf32> to vector<16xf32>
        %get3A_179 = arith.index_cast %scan3A_36 : i32 to index
        %get3A_180 = arith.constant 160 : index
        %get3A_181 = tpu.vector_load %arg10[%get3A_179, %get3A_180] {strides = array<i32>} : memref<64x768xf32, #tpu.memory_space<vmem>>, vector<1x16xf32>,
        %get3A_182 = vector.shape_cast %get3A_181 : vector<1x16xf32> to vector<16xf32>
        %add3A_183 = arith.addf %get3A_178, %get3A_182 : vector<16xf32>
        %swap3A_184 = arith.index_cast %scan3A_36 : i32 to index
        %swap3A_185 = arith.constant 160 : index
        %swap3A_186 = tpu.vector_load %arg9[%swap3A_184, %swap3A_185] {strides = array<i32>} : memref<64x768xf32, #tpu.memory_space<vmem>>, vector<1x16xf32>,
        %swap3A_187 = vector.shape_cast %swap3A_186 : vector<1x16xf32> to vector<16xf32>
        %swap3A_188 = vector.shape_cast %add3A_183 : vector<16xf32> to vector<1x16xf32>
        tpu.vector_store %arg9[%swap3A_184, %swap3A_185], %swap3A_188 {strides = array<i32>} : memref<64x768xf32, #tpu.memory_space<vmem>>, vector<1x16xf32>,
        %get3A_189 = arith.index_cast %scan3A_36 : i32 to index
        %get3A_190 = arith.constant 176 : index
        %get3A_191 = tpu.vector_load %arg9[%get3A_189, %get3A_190] {strides = array<i32>} : memref<64x768xf32, #tpu.memory_space<vmem>>, vector<1x16xf32>,
        %get3A_192 = vector.shape_cast %get3A_191 : vector<1x16xf32> to vector<16xf32>
        %get3A_193 = arith.index_cast %scan3A_36 : i32 to index
        %get3A_194 = arith.constant 176 : index
        %get3A_195 = tpu.vector_load %arg10[%get3A_193, %get3A_194] {strides = array<i32>} : memref<64x768xf32, #tpu.memory_space<vmem>>, vector<1x16xf32>,
        %get3A_196 = vector.shape_cast %get3A_195 : vector<1x16xf32> to vector<16xf32>
        %add3A_197 = arith.addf %get3A_192, %get3A_196 : vector<16xf32>
        %swap3A_198 = arith.index_cast %scan3A_36 : i32 to index
        %swap3A_199 = arith.constant 176 : index
        %swap3A_200 = tpu.vector_load %arg9[%swap3A_198, %swap3A_199] {strides = array<i32>} : memref<64x768xf32, #tpu.memory_space<vmem>>, vector<1x16xf32>,
        %swap3A_201 = vector.shape_cast %swap3A_200 : vector<1x16xf32> to vector<16xf32>
        %swap3A_202 = vector.shape_cast %add3A_197 : vector<16xf32> to vector<1x16xf32>
        tpu.vector_store %arg9[%swap3A_198, %swap3A_199], %swap3A_202 {strides = array<i32>} : memref<64x768xf32, #tpu.memory_space<vmem>>, vector<1x16xf32>,
        %get3A_203 = arith.index_cast %scan3A_36 : i32 to index
        %get3A_204 = arith.constant 192 : index
        %get3A_205 = tpu.vector_load %arg9[%get3A_203, %get3A_204] {strides = array<i32>} : memref<64x768xf32, #tpu.memory_space<vmem>>, vector<1x16xf32>,
        %get3A_206 = vector.shape_cast %get3A_205 : vector<1x16xf32> to vector<16xf32>
        %get3A_207 = arith.index_cast %scan3A_36 : i32 to index
        %get3A_208 = arith.constant 192 : index
        %get3A_209 = tpu.vector_load %arg10[%get3A_207, %get3A_208] {strides = array<i32>} : memref<64x768xf32, #tpu.memory_space<vmem>>, vector<1x16xf32>,
        %get3A_210 = vector.shape_cast %get3A_209 : vector<1x16xf32> to vector<16xf32>
        %add3A_211 = arith.addf %get3A_206, %get3A_210 : vector<16xf32>
        %swap3A_212 = arith.index_cast %scan3A_36 : i32 to index
        %swap3A_213 = arith.constant 192 : index
        %swap3A_214 = tpu.vector_load %arg9[%swap3A_212, %swap3A_213] {strides = array<i32>} : memref<64x768xf32, #tpu.memory_space<vmem>>, vector<1x16xf32>,
        %swap3A_215 = vector.shape_cast %swap3A_214 : vector<1x16xf32> to vector<16xf32>
        %swap3A_216 = vector.shape_cast %add3A_211 : vector<16xf32> to vector<1x16xf32>
        tpu.vector_store %arg9[%swap3A_212, %swap3A_213], %swap3A_216 {strides = array<i32>} : memref<64x768xf32, #tpu.memory_space<vmem>>, vector<1x16xf32>,
        %get3A_217 = arith.index_cast %scan3A_36 : i32 to index
        %get3A_218 = arith.constant 208 : index
        %get3A_219 = tpu.vector_load %arg9[%get3A_217, %get3A_218] {strides = array<i32>} : memref<64x768xf32, #tpu.memory_space<vmem>>, vector<1x16xf32>,
        %get3A_220 = vector.shape_cast %get3A_219 : vector<1x16xf32> to vector<16xf32>
        %get3A_221 = arith.index_cast %scan3A_36 : i32 to index
        %get3A_222 = arith.constant 208 : index
        %get3A_223 = tpu.vector_load %arg10[%get3A_221, %get3A_222] {strides = array<i32>} : memref<64x768xf32, #tpu.memory_space<vmem>>, vector<1x16xf32>,
        %get3A_224 = vector.shape_cast %get3A_223 : vector<1x16xf32> to vector<16xf32>
        %add3A_225 = arith.addf %get3A_220, %get3A_224 : vector<16xf32>
        %swap3A_226 = arith.index_cast %scan3A_36 : i32 to index
        %swap3A_227 = arith.constant 208 : index
        %swap3A_228 = tpu.vector_load %arg9[%swap3A_226, %swap3A_227] {strides = array<i32>} : memref<64x768xf32, #tpu.memory_space<vmem>>, vector<1x16xf32>,
        %swap3A_229 = vector.shape_cast %swap3A_228 : vector<1x16xf32> to vector<16xf32>
        %swap3A_230 = vector.shape_cast %add3A_225 : vector<16xf32> to vector<1x16xf32>
        tpu.vector_store %arg9[%swap3A_226, %swap3A_227], %swap3A_230 {strides = array<i32>} : memref<64x768xf32, #tpu.memory_space<vmem>>, vector<1x16xf32>,
        %get3A_231 = arith.index_cast %scan3A_36 : i32 to index
        %get3A_232 = arith.constant 224 : index
        %get3A_233 = tpu.vector_load %arg9[%get3A_231, %get3A_232] {strides = array<i32>} : memref<64x768xf32, #tpu.memory_space<vmem>>, vector<1x16xf32>,
        %get3A_234 = vector.shape_cast %get3A_233 : vector<1x16xf32> to vector<16xf32>
        %get3A_235 = arith.index_cast %scan3A_36 : i32 to index
        %get3A_236 = arith.constant 224 : index
        %get3A_237 = tpu.vector_load %arg10[%get3A_235, %get3A_236] {strides = array<i32>} : memref<64x768xf32, #tpu.memory_space<vmem>>, vector<1x16xf32>,
        %get3A_238 = vector.shape_cast %get3A_237 : vector<1x16xf32> to vector<16xf32>
        %add3A_239 = arith.addf %get3A_234, %get3A_238 : vector<16xf32>
        %swap3A_240 = arith.index_cast %scan3A_36 : i32 to index
        %swap3A_241 = arith.constant 224 : index
        %swap3A_242 = tpu.vector_load %arg9[%swap3A_240, %swap3A_241] {strides = array<i32>} : memref<64x768xf32, #tpu.memory_space<vmem>>, vector<1x16xf32>,
        %swap3A_243 = vector.shape_cast %swap3A_242 : vector<1x16xf32> to vector<16xf32>
        %swap3A_244 = vector.shape_cast %add3A_239 : vector<16xf32> to vector<1x16xf32>
        tpu.vector_store %arg9[%swap3A_240, %swap3A_241], %swap3A_244 {strides = array<i32>} : memref<64x768xf32, #tpu.memory_space<vmem>>, vector<1x16xf32>,
        %get3A_245 = arith.index_cast %scan3A_36 : i32 to index
        %get3A_246 = arith.constant 240 : index
        %get3A_247 = tpu.vector_load %arg9[%get3A_245, %get3A_246] {strides = array<i32>} : memref<64x768xf32, #tpu.memory_space<vmem>>, vector<1x16xf32>,
        %get3A_248 = vector.shape_cast %get3A_247 : vector<1x16xf32> to vector<16xf32>
        %get3A_249 = arith.index_cast %scan3A_36 : i32 to index
        %get3A_250 = arith.constant 240 : index
        %get3A_251 = tpu.vector_load %arg10[%get3A_249, %get3A_250] {strides = array<i32>} : memref<64x768xf32, #tpu.memory_space<vmem>>, vector<1x16xf32>,
        %get3A_252 = vector.shape_cast %get3A_251 : vector<1x16xf32> to vector<16xf32>
        %add3A_253 = arith.addf %get3A_248, %get3A_252 : vector<16xf32>
        %swap3A_254 = arith.index_cast %scan3A_36 : i32 to index
        %swap3A_255 = arith.constant 240 : index
        %swap3A_256 = tpu.vector_load %arg9[%swap3A_254, %swap3A_255] {strides = array<i32>} : memref<64x768xf32, #tpu.memory_space<vmem>>, vector<1x16xf32>,
        %swap3A_257 = vector.shape_cast %swap3A_256 : vector<1x16xf32> to vector<16xf32>
        %swap3A_258 = vector.shape_cast %add3A_253 : vector<16xf32> to vector<1x16xf32>
        tpu.vector_store %arg9[%swap3A_254, %swap3A_255], %swap3A_258 {strides = array<i32>} : memref<64x768xf32, #tpu.memory_space<vmem>>, vector<1x16xf32>,
        %get3A_259 = arith.index_cast %scan3A_36 : i32 to index
        %get3A_260 = arith.constant 256 : index
        %get3A_261 = tpu.vector_load %arg9[%get3A_259, %get3A_260] {strides = array<i32>} : memref<64x768xf32, #tpu.memory_space<vmem>>, vector<1x16xf32>,
        %get3A_262 = vector.shape_cast %get3A_261 : vector<1x16xf32> to vector<16xf32>
        %get3A_263 = arith.index_cast %scan3A_36 : i32 to index
        %get3A_264 = arith.constant 256 : index
        %get3A_265 = tpu.vector_load %arg10[%get3A_263, %get3A_264] {strides = array<i32>} : memref<64x768xf32, #tpu.memory_space<vmem>>, vector<1x16xf32>,
        %get3A_266 = vector.shape_cast %get3A_265 : vector<1x16xf32> to vector<16xf32>
        %add3A_267 = arith.addf %get3A_262, %get3A_266 : vector<16xf32>
        %swap3A_268 = arith.index_cast %scan3A_36 : i32 to index
        %swap3A_269 = arith.constant 256 : index
        %swap3A_270 = tpu.vector_load %arg9[%swap3A_268, %swap3A_269] {strides = array<i32>} : memref<64x768xf32, #tpu.memory_space<vmem>>, vector<1x16xf32>,
        %swap3A_271 = vector.shape_cast %swap3A_270 : vector<1x16xf32> to vector<16xf32>
        %swap3A_272 = vector.shape_cast %add3A_267 : vector<16xf32> to vector<1x16xf32>
        tpu.vector_store %arg9[%swap3A_268, %swap3A_269], %swap3A_272 {strides = array<i32>} : memref<64x768xf32, #tpu.memory_space<vmem>>, vector<1x16xf32>,
        %get3A_273 = arith.index_cast %scan3A_36 : i32 to index
        %get3A_274 = arith.constant 272 : index
        %get3A_275 = tpu.vector_load %arg9[%get3A_273, %get3A_274] {strides = array<i32>} : memref<64x768xf32, #tpu.memory_space<vmem>>, vector<1x16xf32>,
        %get3A_276 = vector.shape_cast %get3A_275 : vector<1x16xf32> to vector<16xf32>
        %get3A_277 = arith.index_cast %scan3A_36 : i32 to index
        %get3A_278 = arith.constant 272 : index
        %get3A_279 = tpu.vector_load %arg10[%get3A_277, %get3A_278] {strides = array<i32>} : memref<64x768xf32, #tpu.memory_space<vmem>>, vector<1x16xf32>,
        %get3A_280 = vector.shape_cast %get3A_279 : vector<1x16xf32> to vector<16xf32>
        %add3A_281 = arith.addf %get3A_276, %get3A_280 : vector<16xf32>
        %swap3A_282 = arith.index_cast %scan3A_36 : i32 to index
        %swap3A_283 = arith.constant 272 : index
        %swap3A_284 = tpu.vector_load %arg9[%swap3A_282, %swap3A_283] {strides = array<i32>} : memref<64x768xf32, #tpu.memory_space<vmem>>, vector<1x16xf32>,
        %swap3A_285 = vector.shape_cast %swap3A_284 : vector<1x16xf32> to vector<16xf32>
        %swap3A_286 = vector.shape_cast %add3A_281 : vector<16xf32> to vector<1x16xf32>
        tpu.vector_store %arg9[%swap3A_282, %swap3A_283], %swap3A_286 {strides = array<i32>} : memref<64x768xf32, #tpu.memory_space<vmem>>, vector<1x16xf32>,
        %get3A_287 = arith.index_cast %scan3A_36 : i32 to index
        %get3A_288 = arith.constant 288 : index
        %get3A_289 = tpu.vector_load %arg9[%get3A_287, %get3A_288] {strides = array<i32>} : memref<64x768xf32, #tpu.memory_space<vmem>>, vector<1x16xf32>,
        %get3A_290 = vector.shape_cast %get3A_289 : vector<1x16xf32> to vector<16xf32>
        %get3A_291 = arith.index_cast %scan3A_36 : i32 to index
        %get3A_292 = arith.constant 288 : index
        %get3A_293 = tpu.vector_load %arg10[%get3A_291, %get3A_292] {strides = array<i32>} : memref<64x768xf32, #tpu.memory_space<vmem>>, vector<1x16xf32>,
        %get3A_294 = vector.shape_cast %get3A_293 : vector<1x16xf32> to vector<16xf32>
        %add3A_295 = arith.addf %get3A_290, %get3A_294 : vector<16xf32>
        %swap3A_296 = arith.index_cast %scan3A_36 : i32 to index
        %swap3A_297 = arith.constant 288 : index
        %swap3A_298 = tpu.vector_load %arg9[%swap3A_296, %swap3A_297] {strides = array<i32>} : memref<64x768xf32, #tpu.memory_space<vmem>>, vector<1x16xf32>,
        %swap3A_299 = vector.shape_cast %swap3A_298 : vector<1x16xf32> to vector<16xf32>
        %swap3A_300 = vector.shape_cast %add3A_295 : vector<16xf32> to vector<1x16xf32>
        tpu.vector_store %arg9[%swap3A_296, %swap3A_297], %swap3A_300 {strides = array<i32>} : memref<64x768xf32, #tpu.memory_space<vmem>>, vector<1x16xf32>,
        %get3A_301 = arith.index_cast %scan3A_36 : i32 to index
        %get3A_302 = arith.constant 304 : index
        %get3A_303 = tpu.vector_load %arg9[%get3A_301, %get3A_302] {strides = array<i32>} : memref<64x768xf32, #tpu.memory_space<vmem>>, vector<1x16xf32>,
        %get3A_304 = vector.shape_cast %get3A_303 : vector<1x16xf32> to vector<16xf32>
        %get3A_305 = arith.index_cast %scan3A_36 : i32 to index
        %get3A_306 = arith.constant 304 : index
        %get3A_307 = tpu.vector_load %arg10[%get3A_305, %get3A_306] {strides = array<i32>} : memref<64x768xf32, #tpu.memory_space<vmem>>, vector<1x16xf32>,
        %get3A_308 = vector.shape_cast %get3A_307 : vector<1x16xf32> to vector<16xf32>
        %add3A_309 = arith.addf %get3A_304, %get3A_308 : vector<16xf32>
        %swap3A_310 = arith.index_cast %scan3A_36 : i32 to index
        %swap3A_311 = arith.constant 304 : index
        %swap3A_312 = tpu.vector_load %arg9[%swap3A_310, %swap3A_311] {strides = array<i32>} : memref<64x768xf32, #tpu.memory_space<vmem>>, vector<1x16xf32>,
        %swap3A_313 = vector.shape_cast %swap3A_312 : vector<1x16xf32> to vector<16xf32>
        %swap3A_314 = vector.shape_cast %add3A_309 : vector<16xf32> to vector<1x16xf32>
        tpu.vector_store %arg9[%swap3A_310, %swap3A_311], %swap3A_314 {strides = array<i32>} : memref<64x768xf32, #tpu.memory_space<vmem>>, vector<1x16xf32>,
        %get3A_315 = arith.index_cast %scan3A_36 : i32 to index
        %get3A_316 = arith.constant 320 : index
        %get3A_317 = tpu.vector_load %arg9[%get3A_315, %get3A_316] {strides = array<i32>} : memref<64x768xf32, #tpu.memory_space<vmem>>, vector<1x16xf32>,
        %get3A_318 = vector.shape_cast %get3A_317 : vector<1x16xf32> to vector<16xf32>
        %get3A_319 = arith.index_cast %scan3A_36 : i32 to index
        %get3A_320 = arith.constant 320 : index
        %get3A_321 = tpu.vector_load %arg10[%get3A_319, %get3A_320] {strides = array<i32>} : memref<64x768xf32, #tpu.memory_space<vmem>>, vector<1x16xf32>,
        %get3A_322 = vector.shape_cast %get3A_321 : vector<1x16xf32> to vector<16xf32>
        %add3A_323 = arith.addf %get3A_318, %get3A_322 : vector<16xf32>
        %swap3A_324 = arith.index_cast %scan3A_36 : i32 to index
        %swap3A_325 = arith.constant 320 : index
        %swap3A_326 = tpu.vector_load %arg9[%swap3A_324, %swap3A_325] {strides = array<i32>} : memref<64x768xf32, #tpu.memory_space<vmem>>, vector<1x16xf32>,
        %swap3A_327 = vector.shape_cast %swap3A_326 : vector<1x16xf32> to vector<16xf32>
        %swap3A_328 = vector.shape_cast %add3A_323 : vector<16xf32> to vector<1x16xf32>
        tpu.vector_store %arg9[%swap3A_324, %swap3A_325], %swap3A_328 {strides = array<i32>} : memref<64x768xf32, #tpu.memory_space<vmem>>, vector<1x16xf32>,
        %get3A_329 = arith.index_cast %scan3A_36 : i32 to index
        %get3A_330 = arith.constant 336 : index
        %get3A_331 = tpu.vector_load %arg9[%get3A_329, %get3A_330] {strides = array<i32>} : memref<64x768xf32, #tpu.memory_space<vmem>>, vector<1x16xf32>,
        %get3A_332 = vector.shape_cast %get3A_331 : vector<1x16xf32> to vector<16xf32>
        %get3A_333 = arith.index_cast %scan3A_36 : i32 to index
        %get3A_334 = arith.constant 336 : index
        %get3A_335 = tpu.vector_load %arg10[%get3A_333, %get3A_334] {strides = array<i32>} : memref<64x768xf32, #tpu.memory_space<vmem>>, vector<1x16xf32>,
        %get3A_336 = vector.shape_cast %get3A_335 : vector<1x16xf32> to vector<16xf32>
        %add3A_337 = arith.addf %get3A_332, %get3A_336 : vector<16xf32>
        %swap3A_338 = arith.index_cast %scan3A_36 : i32 to index
        %swap3A_339 = arith.constant 336 : index
        %swap3A_340 = tpu.vector_load %arg9[%swap3A_338, %swap3A_339] {strides = array<i32>} : memref<64x768xf32, #tpu.memory_space<vmem>>, vector<1x16xf32>,
        %swap3A_341 = vector.shape_cast %swap3A_340 : vector<1x16xf32> to vector<16xf32>
        %swap3A_342 = vector.shape_cast %add3A_337 : vector<16xf32> to vector<1x16xf32>
        tpu.vector_store %arg9[%swap3A_338, %swap3A_339], %swap3A_342 {strides = array<i32>} : memref<64x768xf32, #tpu.memory_space<vmem>>, vector<1x16xf32>,
        %get3A_343 = arith.index_cast %scan3A_36 : i32 to index
        %get3A_344 = arith.constant 352 : index
        %get3A_345 = tpu.vector_load %arg9[%get3A_343, %get3A_344] {strides = array<i32>} : memref<64x768xf32, #tpu.memory_space<vmem>>, vector<1x16xf32>,
        %get3A_346 = vector.shape_cast %get3A_345 : vector<1x16xf32> to vector<16xf32>
        %get3A_347 = arith.index_cast %scan3A_36 : i32 to index
        %get3A_348 = arith.constant 352 : index
        %get3A_349 = tpu.vector_load %arg10[%get3A_347, %get3A_348] {strides = array<i32>} : memref<64x768xf32, #tpu.memory_space<vmem>>, vector<1x16xf32>,
        %get3A_350 = vector.shape_cast %get3A_349 : vector<1x16xf32> to vector<16xf32>
        %add3A_351 = arith.addf %get3A_346, %get3A_350 : vector<16xf32>
        %swap3A_352 = arith.index_cast %scan3A_36 : i32 to index
        %swap3A_353 = arith.constant 352 : index
        %swap3A_354 = tpu.vector_load %arg9[%swap3A_352, %swap3A_353] {strides = array<i32>} : memref<64x768xf32, #tpu.memory_space<vmem>>, vector<1x16xf32>,
        %swap3A_355 = vector.shape_cast %swap3A_354 : vector<1x16xf32> to vector<16xf32>
        %swap3A_356 = vector.shape_cast %add3A_351 : vector<16xf32> to vector<1x16xf32>
        tpu.vector_store %arg9[%swap3A_352, %swap3A_353], %swap3A_356 {strides = array<i32>} : memref<64x768xf32, #tpu.memory_space<vmem>>, vector<1x16xf32>,
        %get3A_357 = arith.index_cast %scan3A_36 : i32 to index
        %get3A_358 = arith.constant 368 : index
        %get3A_359 = tpu.vector_load %arg9[%get3A_357, %get3A_358] {strides = array<i32>} : memref<64x768xf32, #tpu.memory_space<vmem>>, vector<1x16xf32>,
        %get3A_360 = vector.shape_cast %get3A_359 : vector<1x16xf32> to vector<16xf32>
        %get3A_361 = arith.index_cast %scan3A_36 : i32 to index
        %get3A_362 = arith.constant 368 : index
        %get3A_363 = tpu.vector_load %arg10[%get3A_361, %get3A_362] {strides = array<i32>} : memref<64x768xf32, #tpu.memory_space<vmem>>, vector<1x16xf32>,
        %get3A_364 = vector.shape_cast %get3A_363 : vector<1x16xf32> to vector<16xf32>
        %add3A_365 = arith.addf %get3A_360, %get3A_364 : vector<16xf32>
        %swap3A_366 = arith.index_cast %scan3A_36 : i32 to index
        %swap3A_367 = arith.constant 368 : index
        %swap3A_368 = tpu.vector_load %arg9[%swap3A_366, %swap3A_367] {strides = array<i32>} : memref<64x768xf32, #tpu.memory_space<vmem>>, vector<1x16xf32>,
        %swap3A_369 = vector.shape_cast %swap3A_368 : vector<1x16xf32> to vector<16xf32>
        %swap3A_370 = vector.shape_cast %add3A_365 : vector<16xf32> to vector<1x16xf32>
        tpu.vector_store %arg9[%swap3A_366, %swap3A_367], %swap3A_370 {strides = array<i32>} : memref<64x768xf32, #tpu.memory_space<vmem>>, vector<1x16xf32>,
        %get3A_371 = arith.index_cast %scan3A_36 : i32 to index
        %get3A_372 = arith.constant 384 : index
        %get3A_373 = tpu.vector_load %arg9[%get3A_371, %get3A_372] {strides = array<i32>} : memref<64x768xf32, #tpu.memory_space<vmem>>, vector<1x16xf32>,
        %get3A_374 = vector.shape_cast %get3A_373 : vector<1x16xf32> to vector<16xf32>
        %get3A_375 = arith.index_cast %scan3A_36 : i32 to index
        %get3A_376 = arith.constant 384 : index
        %get3A_377 = tpu.vector_load %arg10[%get3A_375, %get3A_376] {strides = array<i32>} : memref<64x768xf32, #tpu.memory_space<vmem>>, vector<1x16xf32>,
        %get3A_378 = vector.shape_cast %get3A_377 : vector<1x16xf32> to vector<16xf32>
        %add3A_379 = arith.addf %get3A_374, %get3A_378 : vector<16xf32>
        %swap3A_380 = arith.index_cast %scan3A_36 : i32 to index
        %swap3A_381 = arith.constant 384 : index
        %swap3A_382 = tpu.vector_load %arg9[%swap3A_380, %swap3A_381] {strides = array<i32>} : memref<64x768xf32, #tpu.memory_space<vmem>>, vector<1x16xf32>,
        %swap3A_383 = vector.shape_cast %swap3A_382 : vector<1x16xf32> to vector<16xf32>
        %swap3A_384 = vector.shape_cast %add3A_379 : vector<16xf32> to vector<1x16xf32>
        tpu.vector_store %arg9[%swap3A_380, %swap3A_381], %swap3A_384 {strides = array<i32>} : memref<64x768xf32, #tpu.memory_space<vmem>>, vector<1x16xf32>,
        %get3A_385 = arith.index_cast %scan3A_36 : i32 to index
        %get3A_386 = arith.constant 400 : index
        %get3A_387 = tpu.vector_load %arg9[%get3A_385, %get3A_386] {strides = array<i32>} : memref<64x768xf32, #tpu.memory_space<vmem>>, vector<1x16xf32>,
        %get3A_388 = vector.shape_cast %get3A_387 : vector<1x16xf32> to vector<16xf32>
        %get3A_389 = arith.index_cast %scan3A_36 : i32 to index
        %get3A_390 = arith.constant 400 : index
        %get3A_391 = tpu.vector_load %arg10[%get3A_389, %get3A_390] {strides = array<i32>} : memref<64x768xf32, #tpu.memory_space<vmem>>, vector<1x16xf32>,
        %get3A_392 = vector.shape_cast %get3A_391 : vector<1x16xf32> to vector<16xf32>
        %add3A_393 = arith.addf %get3A_388, %get3A_392 : vector<16xf32>
        %swap3A_394 = arith.index_cast %scan3A_36 : i32 to index
        %swap3A_395 = arith.constant 400 : index
        %swap3A_396 = tpu.vector_load %arg9[%swap3A_394, %swap3A_395] {strides = array<i32>} : memref<64x768xf32, #tpu.memory_space<vmem>>, vector<1x16xf32>,
        %swap3A_397 = vector.shape_cast %swap3A_396 : vector<1x16xf32> to vector<16xf32>
        %swap3A_398 = vector.shape_cast %add3A_393 : vector<16xf32> to vector<1x16xf32>
        tpu.vector_store %arg9[%swap3A_394, %swap3A_395], %swap3A_398 {strides = array<i32>} : memref<64x768xf32, #tpu.memory_space<vmem>>, vector<1x16xf32>,
        %get3A_399 = arith.index_cast %scan3A_36 : i32 to index
        %get3A_400 = arith.constant 416 : index
        %get3A_401 = tpu.vector_load %arg9[%get3A_399, %get3A_400] {strides = array<i32>} : memref<64x768xf32, #tpu.memory_space<vmem>>, vector<1x16xf32>,
        %get3A_402 = vector.shape_cast %get3A_401 : vector<1x16xf32> to vector<16xf32>
        %get3A_403 = arith.index_cast %scan3A_36 : i32 to index
        %get3A_404 = arith.constant 416 : index
        %get3A_405 = tpu.vector_load %arg10[%get3A_403, %get3A_404] {strides = array<i32>} : memref<64x768xf32, #tpu.memory_space<vmem>>, vector<1x16xf32>,
        %get3A_406 = vector.shape_cast %get3A_405 : vector<1x16xf32> to vector<16xf32>
        %add3A_407 = arith.addf %get3A_402, %get3A_406 : vector<16xf32>
        %swap3A_408 = arith.index_cast %scan3A_36 : i32 to index
        %swap3A_409 = arith.constant 416 : index
        %swap3A_410 = tpu.vector_load %arg9[%swap3A_408, %swap3A_409] {strides = array<i32>} : memref<64x768xf32, #tpu.memory_space<vmem>>, vector<1x16xf32>,
        %swap3A_411 = vector.shape_cast %swap3A_410 : vector<1x16xf32> to vector<16xf32>
        %swap3A_412 = vector.shape_cast %add3A_407 : vector<16xf32> to vector<1x16xf32>
        tpu.vector_store %arg9[%swap3A_408, %swap3A_409], %swap3A_412 {strides = array<i32>} : memref<64x768xf32, #tpu.memory_space<vmem>>, vector<1x16xf32>,
        %get3A_413 = arith.index_cast %scan3A_36 : i32 to index
        %get3A_414 = arith.constant 432 : index
        %get3A_415 = tpu.vector_load %arg9[%get3A_413, %get3A_414] {strides = array<i32>} : memref<64x768xf32, #tpu.memory_space<vmem>>, vector<1x16xf32>,
        %get3A_416 = vector.shape_cast %get3A_415 : vector<1x16xf32> to vector<16xf32>
        %get3A_417 = arith.index_cast %scan3A_36 : i32 to index
        %get3A_418 = arith.constant 432 : index
        %get3A_419 = tpu.vector_load %arg10[%get3A_417, %get3A_418] {strides = array<i32>} : memref<64x768xf32, #tpu.memory_space<vmem>>, vector<1x16xf32>,
        %get3A_420 = vector.shape_cast %get3A_419 : vector<1x16xf32> to vector<16xf32>
        %add3A_421 = arith.addf %get3A_416, %get3A_420 : vector<16xf32>
        %swap3A_422 = arith.index_cast %scan3A_36 : i32 to index
        %swap3A_423 = arith.constant 432 : index
        %swap3A_424 = tpu.vector_load %arg9[%swap3A_422, %swap3A_423] {strides = array<i32>} : memref<64x768xf32, #tpu.memory_space<vmem>>, vector<1x16xf32>,
        %swap3A_425 = vector.shape_cast %swap3A_424 : vector<1x16xf32> to vector<16xf32>
        %swap3A_426 = vector.shape_cast %add3A_421 : vector<16xf32> to vector<1x16xf32>
        tpu.vector_store %arg9[%swap3A_422, %swap3A_423], %swap3A_426 {strides = array<i32>} : memref<64x768xf32, #tpu.memory_space<vmem>>, vector<1x16xf32>,
        %get3A_427 = arith.index_cast %scan3A_36 : i32 to index
        %get3A_428 = arith.constant 448 : index
        %get3A_429 = tpu.vector_load %arg9[%get3A_427, %get3A_428] {strides = array<i32>} : memref<64x768xf32, #tpu.memory_space<vmem>>, vector<1x16xf32>,
        %get3A_430 = vector.shape_cast %get3A_429 : vector<1x16xf32> to vector<16xf32>
        %get3A_431 = arith.index_cast %scan3A_36 : i32 to index
        %get3A_432 = arith.constant 448 : index
        %get3A_433 = tpu.vector_load %arg10[%get3A_431, %get3A_432] {strides = array<i32>} : memref<64x768xf32, #tpu.memory_space<vmem>>, vector<1x16xf32>,
        %get3A_434 = vector.shape_cast %get3A_433 : vector<1x16xf32> to vector<16xf32>
        %add3A_435 = arith.addf %get3A_430, %get3A_434 : vector<16xf32>
        %swap3A_436 = arith.index_cast %scan3A_36 : i32 to index
        %swap3A_437 = arith.constant 448 : index
        %swap3A_438 = tpu.vector_load %arg9[%swap3A_436, %swap3A_437] {strides = array<i32>} : memref<64x768xf32, #tpu.memory_space<vmem>>, vector<1x16xf32>,
        %swap3A_439 = vector.shape_cast %swap3A_438 : vector<1x16xf32> to vector<16xf32>
        %swap3A_440 = vector.shape_cast %add3A_435 : vector<16xf32> to vector<1x16xf32>
        tpu.vector_store %arg9[%swap3A_436, %swap3A_437], %swap3A_440 {strides = array<i32>} : memref<64x768xf32, #tpu.memory_space<vmem>>, vector<1x16xf32>,
        %get3A_441 = arith.index_cast %scan3A_36 : i32 to index
        %get3A_442 = arith.constant 464 : index
        %get3A_443 = tpu.vector_load %arg9[%get3A_441, %get3A_442] {strides = array<i32>} : memref<64x768xf32, #tpu.memory_space<vmem>>, vector<1x16xf32>,
        %get3A_444 = vector.shape_cast %get3A_443 : vector<1x16xf32> to vector<16xf32>
        %get3A_445 = arith.index_cast %scan3A_36 : i32 to index
        %get3A_446 = arith.constant 464 : index
        %get3A_447 = tpu.vector_load %arg10[%get3A_445, %get3A_446] {strides = array<i32>} : memref<64x768xf32, #tpu.memory_space<vmem>>, vector<1x16xf32>,
        %get3A_448 = vector.shape_cast %get3A_447 : vector<1x16xf32> to vector<16xf32>
        %add3A_449 = arith.addf %get3A_444, %get3A_448 : vector<16xf32>
        %swap3A_450 = arith.index_cast %scan3A_36 : i32 to index
        %swap3A_451 = arith.constant 464 : index
        %swap3A_452 = tpu.vector_load %arg9[%swap3A_450, %swap3A_451] {strides = array<i32>} : memref<64x768xf32, #tpu.memory_space<vmem>>, vector<1x16xf32>,
        %swap3A_453 = vector.shape_cast %swap3A_452 : vector<1x16xf32> to vector<16xf32>
        %swap3A_454 = vector.shape_cast %add3A_449 : vector<16xf32> to vector<1x16xf32>
        tpu.vector_store %arg9[%swap3A_450, %swap3A_451], %swap3A_454 {strides = array<i32>} : memref<64x768xf32, #tpu.memory_space<vmem>>, vector<1x16xf32>,
        %get3A_455 = arith.index_cast %scan3A_36 : i32 to index
        %get3A_456 = arith.constant 480 : index
        %get3A_457 = tpu.vector_load %arg9[%get3A_455, %get3A_456] {strides = array<i32>} : memref<64x768xf32, #tpu.memory_space<vmem>>, vector<1x16xf32>,
        %get3A_458 = vector.shape_cast %get3A_457 : vector<1x16xf32> to vector<16xf32>
        %get3A_459 = arith.index_cast %scan3A_36 : i32 to index
        %get3A_460 = arith.constant 480 : index
        %get3A_461 = tpu.vector_load %arg10[%get3A_459, %get3A_460] {strides = array<i32>} : memref<64x768xf32, #tpu.memory_space<vmem>>, vector<1x16xf32>,
        %get3A_462 = vector.shape_cast %get3A_461 : vector<1x16xf32> to vector<16xf32>
        %add3A_463 = arith.addf %get3A_458, %get3A_462 : vector<16xf32>
        %swap3A_464 = arith.index_cast %scan3A_36 : i32 to index
        %swap3A_465 = arith.constant 480 : index
        %swap3A_466 = tpu.vector_load %arg9[%swap3A_464, %swap3A_465] {strides = array<i32>} : memref<64x768xf32, #tpu.memory_space<vmem>>, vector<1x16xf32>,
        %swap3A_467 = vector.shape_cast %swap3A_466 : vector<1x16xf32> to vector<16xf32>
        %swap3A_468 = vector.shape_cast %add3A_463 : vector<16xf32> to vector<1x16xf32>
        tpu.vector_store %arg9[%swap3A_464, %swap3A_465], %swap3A_468 {strides = array<i32>} : memref<64x768xf32, #tpu.memory_space<vmem>>, vector<1x16xf32>,
        %get3A_469 = arith.index_cast %scan3A_36 : i32 to index
        %get3A_470 = arith.constant 496 : index
        %get3A_471 = tpu.vector_load %arg9[%get3A_469, %get3A_470] {strides = array<i32>} : memref<64x768xf32, #tpu.memory_space<vmem>>, vector<1x16xf32>,
        %get3A_472 = vector.shape_cast %get3A_471 : vector<1x16xf32> to vector<16xf32>
        %get3A_473 = arith.index_cast %scan3A_36 : i32 to index
        %get3A_474 = arith.constant 496 : index
        %get3A_475 = tpu.vector_load %arg10[%get3A_473, %get3A_474] {strides = array<i32>} : memref<64x768xf32, #tpu.memory_space<vmem>>, vector<1x16xf32>,
        %get3A_476 = vector.shape_cast %get3A_475 : vector<1x16xf32> to vector<16xf32>
        %add3A_477 = arith.addf %get3A_472, %get3A_476 : vector<16xf32>
        %swap3A_478 = arith.index_cast %scan3A_36 : i32 to index
        %swap3A_479 = arith.constant 496 : index
        %swap3A_480 = tpu.vector_load %arg9[%swap3A_478, %swap3A_479] {strides = array<i32>} : memref<64x768xf32, #tpu.memory_space<vmem>>, vector<1x16xf32>,
        %swap3A_481 = vector.shape_cast %swap3A_480 : vector<1x16xf32> to vector<16xf32>
        %swap3A_482 = vector.shape_cast %add3A_477 : vector<16xf32> to vector<1x16xf32>
        tpu.vector_store %arg9[%swap3A_478, %swap3A_479], %swap3A_482 {strides = array<i32>} : memref<64x768xf32, #tpu.memory_space<vmem>>, vector<1x16xf32>,
        %get3A_483 = arith.index_cast %scan3A_36 : i32 to index
        %get3A_484 = arith.constant 512 : index
        %get3A_485 = tpu.vector_load %arg9[%get3A_483, %get3A_484] {strides = array<i32>} : memref<64x768xf32, #tpu.memory_space<vmem>>, vector<1x16xf32>,
        %get3A_486 = vector.shape_cast %get3A_485 : vector<1x16xf32> to vector<16xf32>
        %get3A_487 = arith.index_cast %scan3A_36 : i32 to index
        %get3A_488 = arith.constant 512 : index
        %get3A_489 = tpu.vector_load %arg10[%get3A_487, %get3A_488] {strides = array<i32>} : memref<64x768xf32, #tpu.memory_space<vmem>>, vector<1x16xf32>,
        %get3A_490 = vector.shape_cast %get3A_489 : vector<1x16xf32> to vector<16xf32>
        %add3A_491 = arith.addf %get3A_486, %get3A_490 : vector<16xf32>
        %swap3A_492 = arith.index_cast %scan3A_36 : i32 to index
        %swap3A_493 = arith.constant 512 : index
        %swap3A_494 = tpu.vector_load %arg9[%swap3A_492, %swap3A_493] {strides = array<i32>} : memref<64x768xf32, #tpu.memory_space<vmem>>, vector<1x16xf32>,
        %swap3A_495 = vector.shape_cast %swap3A_494 : vector<1x16xf32> to vector<16xf32>
        %swap3A_496 = vector.shape_cast %add3A_491 : vector<16xf32> to vector<1x16xf32>
        tpu.vector_store %arg9[%swap3A_492, %swap3A_493], %swap3A_496 {strides = array<i32>} : memref<64x768xf32, #tpu.memory_space<vmem>>, vector<1x16xf32>,
        %get3A_497 = arith.index_cast %scan3A_36 : i32 to index
        %get3A_498 = arith.constant 528 : index
        %get3A_499 = tpu.vector_load %arg9[%get3A_497, %get3A_498] {strides = array<i32>} : memref<64x768xf32, #tpu.memory_space<vmem>>, vector<1x16xf32>,
        %get3A_500 = vector.shape_cast %get3A_499 : vector<1x16xf32> to vector<16xf32>
        %get3A_501 = arith.index_cast %scan3A_36 : i32 to index
        %get3A_502 = arith.constant 528 : index
        %get3A_503 = tpu.vector_load %arg10[%get3A_501, %get3A_502] {strides = array<i32>} : memref<64x768xf32, #tpu.memory_space<vmem>>, vector<1x16xf32>,
        %get3A_504 = vector.shape_cast %get3A_503 : vector<1x16xf32> to vector<16xf32>
        %add3A_505 = arith.addf %get3A_500, %get3A_504 : vector<16xf32>
        %swap3A_506 = arith.index_cast %scan3A_36 : i32 to index
        %swap3A_507 = arith.constant 528 : index
        %swap3A_508 = tpu.vector_load %arg9[%swap3A_506, %swap3A_507] {strides = array<i32>} : memref<64x768xf32, #tpu.memory_space<vmem>>, vector<1x16xf32>,
        %swap3A_509 = vector.shape_cast %swap3A_508 : vector<1x16xf32> to vector<16xf32>
        %swap3A_510 = vector.shape_cast %add3A_505 : vector<16xf32> to vector<1x16xf32>
        tpu.vector_store %arg9[%swap3A_506, %swap3A_507], %swap3A_510 {strides = array<i32>} : memref<64x768xf32, #tpu.memory_space<vmem>>, vector<1x16xf32>,
        %get3A_511 = arith.index_cast %scan3A_36 : i32 to index
        %get3A_512 = arith.constant 544 : index
        %get3A_513 = tpu.vector_load %arg9[%get3A_511, %get3A_512] {strides = array<i32>} : memref<64x768xf32, #tpu.memory_space<vmem>>, vector<1x16xf32>,
        %get3A_514 = vector.shape_cast %get3A_513 : vector<1x16xf32> to vector<16xf32>
        %get3A_515 = arith.index_cast %scan3A_36 : i32 to index
        %get3A_516 = arith.constant 544 : index
        %get3A_517 = tpu.vector_load %arg10[%get3A_515, %get3A_516] {strides = array<i32>} : memref<64x768xf32, #tpu.memory_space<vmem>>, vector<1x16xf32>,
        %get3A_518 = vector.shape_cast %get3A_517 : vector<1x16xf32> to vector<16xf32>
        %add3A_519 = arith.addf %get3A_514, %get3A_518 : vector<16xf32>
        %swap3A_520 = arith.index_cast %scan3A_36 : i32 to index
        %swap3A_521 = arith.constant 544 : index
        %swap3A_522 = tpu.vector_load %arg9[%swap3A_520, %swap3A_521] {strides = array<i32>} : memref<64x768xf32, #tpu.memory_space<vmem>>, vector<1x16xf32>,
        %swap3A_523 = vector.shape_cast %swap3A_522 : vector<1x16xf32> to vector<16xf32>
        %swap3A_524 = vector.shape_cast %add3A_519 : vector<16xf32> to vector<1x16xf32>
        tpu.vector_store %arg9[%swap3A_520, %swap3A_521], %swap3A_524 {strides = array<i32>} : memref<64x768xf32, #tpu.memory_space<vmem>>, vector<1x16xf32>,
        %get3A_525 = arith.index_cast %scan3A_36 : i32 to index
        %get3A_526 = arith.constant 560 : index
        %get3A_527 = tpu.vector_load %arg9[%get3A_525, %get3A_526] {strides = array<i32>} : memref<64x768xf32, #tpu.memory_space<vmem>>, vector<1x16xf32>,
        %get3A_528 = vector.shape_cast %get3A_527 : vector<1x16xf32> to vector<16xf32>
        %get3A_529 = arith.index_cast %scan3A_36 : i32 to index
        %get3A_530 = arith.constant 560 : index
        %get3A_531 = tpu.vector_load %arg10[%get3A_529, %get3A_530] {strides = array<i32>} : memref<64x768xf32, #tpu.memory_space<vmem>>, vector<1x16xf32>,
        %get3A_532 = vector.shape_cast %get3A_531 : vector<1x16xf32> to vector<16xf32>
        %add3A_533 = arith.addf %get3A_528, %get3A_532 : vector<16xf32>
        %swap3A_534 = arith.index_cast %scan3A_36 : i32 to index
        %swap3A_535 = arith.constant 560 : index
        %swap3A_536 = tpu.vector_load %arg9[%swap3A_534, %swap3A_535] {strides = array<i32>} : memref<64x768xf32, #tpu.memory_space<vmem>>, vector<1x16xf32>,
        %swap3A_537 = vector.shape_cast %swap3A_536 : vector<1x16xf32> to vector<16xf32>
        %swap3A_538 = vector.shape_cast %add3A_533 : vector<16xf32> to vector<1x16xf32>
        tpu.vector_store %arg9[%swap3A_534, %swap3A_535], %swap3A_538 {strides = array<i32>} : memref<64x768xf32, #tpu.memory_space<vmem>>, vector<1x16xf32>,
        %get3A_539 = arith.index_cast %scan3A_36 : i32 to index
        %get3A_540 = arith.constant 576 : index
        %get3A_541 = tpu.vector_load %arg9[%get3A_539, %get3A_540] {strides = array<i32>} : memref<64x768xf32, #tpu.memory_space<vmem>>, vector<1x16xf32>,
        %get3A_542 = vector.shape_cast %get3A_541 : vector<1x16xf32> to vector<16xf32>
        %get3A_543 = arith.index_cast %scan3A_36 : i32 to index
        %get3A_544 = arith.constant 576 : index
        %get3A_545 = tpu.vector_load %arg10[%get3A_543, %get3A_544] {strides = array<i32>} : memref<64x768xf32, #tpu.memory_space<vmem>>, vector<1x16xf32>,
        %get3A_546 = vector.shape_cast %get3A_545 : vector<1x16xf32> to vector<16xf32>
        %add3A_547 = arith.addf %get3A_542, %get3A_546 : vector<16xf32>
        %swap3A_548 = arith.index_cast %scan3A_36 : i32 to index
        %swap3A_549 = arith.constant 576 : index
        %swap3A_550 = tpu.vector_load %arg9[%swap3A_548, %swap3A_549] {strides = array<i32>} : memref<64x768xf32, #tpu.memory_space<vmem>>, vector<1x16xf32>,
        %swap3A_551 = vector.shape_cast %swap3A_550 : vector<1x16xf32> to vector<16xf32>
        %swap3A_552 = vector.shape_cast %add3A_547 : vector<16xf32> to vector<1x16xf32>
        tpu.vector_store %arg9[%swap3A_548, %swap3A_549], %swap3A_552 {strides = array<i32>} : memref<64x768xf32, #tpu.memory_space<vmem>>, vector<1x16xf32>,
        %get3A_553 = arith.index_cast %scan3A_36 : i32 to index
        %get3A_554 = arith.constant 592 : index
        %get3A_555 = tpu.vector_load %arg9[%get3A_553, %get3A_554] {strides = array<i32>} : memref<64x768xf32, #tpu.memory_space<vmem>>, vector<1x16xf32>,
        %get3A_556 = vector.shape_cast %get3A_555 : vector<1x16xf32> to vector<16xf32>
        %get3A_557 = arith.index_cast %scan3A_36 : i32 to index
        %get3A_558 = arith.constant 592 : index
        %get3A_559 = tpu.vector_load %arg10[%get3A_557, %get3A_558] {strides = array<i32>} : memref<64x768xf32, #tpu.memory_space<vmem>>, vector<1x16xf32>,
        %get3A_560 = vector.shape_cast %get3A_559 : vector<1x16xf32> to vector<16xf32>
        %add3A_561 = arith.addf %get3A_556, %get3A_560 : vector<16xf32>
        %swap3A_562 = arith.index_cast %scan3A_36 : i32 to index
        %swap3A_563 = arith.constant 592 : index
        %swap3A_564 = tpu.vector_load %arg9[%swap3A_562, %swap3A_563] {strides = array<i32>} : memref<64x768xf32, #tpu.memory_space<vmem>>, vector<1x16xf32>,
        %swap3A_565 = vector.shape_cast %swap3A_564 : vector<1x16xf32> to vector<16xf32>
        %swap3A_566 = vector.shape_cast %add3A_561 : vector<16xf32> to vector<1x16xf32>
        tpu.vector_store %arg9[%swap3A_562, %swap3A_563], %swap3A_566 {strides = array<i32>} : memref<64x768xf32, #tpu.memory_space<vmem>>, vector<1x16xf32>,
        %get3A_567 = arith.index_cast %scan3A_36 : i32 to index
        %get3A_568 = arith.constant 608 : index
        %get3A_569 = tpu.vector_load %arg9[%get3A_567, %get3A_568] {strides = array<i32>} : memref<64x768xf32, #tpu.memory_space<vmem>>, vector<1x16xf32>,
        %get3A_570 = vector.shape_cast %get3A_569 : vector<1x16xf32> to vector<16xf32>
        %get3A_571 = arith.index_cast %scan3A_36 : i32 to index
        %get3A_572 = arith.constant 608 : index
        %get3A_573 = tpu.vector_load %arg10[%get3A_571, %get3A_572] {strides = array<i32>} : memref<64x768xf32, #tpu.memory_space<vmem>>, vector<1x16xf32>,
        %get3A_574 = vector.shape_cast %get3A_573 : vector<1x16xf32> to vector<16xf32>
        %add3A_575 = arith.addf %get3A_570, %get3A_574 : vector<16xf32>
        %swap3A_576 = arith.index_cast %scan3A_36 : i32 to index
        %swap3A_577 = arith.constant 608 : index
        %swap3A_578 = tpu.vector_load %arg9[%swap3A_576, %swap3A_577] {strides = array<i32>} : memref<64x768xf32, #tpu.memory_space<vmem>>, vector<1x16xf32>,
        %swap3A_579 = vector.shape_cast %swap3A_578 : vector<1x16xf32> to vector<16xf32>
        %swap3A_580 = vector.shape_cast %add3A_575 : vector<16xf32> to vector<1x16xf32>
        tpu.vector_store %arg9[%swap3A_576, %swap3A_577], %swap3A_580 {strides = array<i32>} : memref<64x768xf32, #tpu.memory_space<vmem>>, vector<1x16xf32>,
        %get3A_581 = arith.index_cast %scan3A_36 : i32 to index
        %get3A_582 = arith.constant 624 : index
        %get3A_583 = tpu.vector_load %arg9[%get3A_581, %get3A_582] {strides = array<i32>} : memref<64x768xf32, #tpu.memory_space<vmem>>, vector<1x16xf32>,
        %get3A_584 = vector.shape_cast %get3A_583 : vector<1x16xf32> to vector<16xf32>
        %get3A_585 = arith.index_cast %scan3A_36 : i32 to index
        %get3A_586 = arith.constant 624 : index
        %get3A_587 = tpu.vector_load %arg10[%get3A_585, %get3A_586] {strides = array<i32>} : memref<64x768xf32, #tpu.memory_space<vmem>>, vector<1x16xf32>,
        %get3A_588 = vector.shape_cast %get3A_587 : vector<1x16xf32> to vector<16xf32>
        %add3A_589 = arith.addf %get3A_584, %get3A_588 : vector<16xf32>
        %swap3A_590 = arith.index_cast %scan3A_36 : i32 to index
        %swap3A_591 = arith.constant 624 : index
        %swap3A_592 = tpu.vector_load %arg9[%swap3A_590, %swap3A_591] {strides = array<i32>} : memref<64x768xf32, #tpu.memory_space<vmem>>, vector<1x16xf32>,
        %swap3A_593 = vector.shape_cast %swap3A_592 : vector<1x16xf32> to vector<16xf32>
        %swap3A_594 = vector.shape_cast %add3A_589 : vector<16xf32> to vector<1x16xf32>
        tpu.vector_store %arg9[%swap3A_590, %swap3A_591], %swap3A_594 {strides = array<i32>} : memref<64x768xf32, #tpu.memory_space<vmem>>, vector<1x16xf32>,
        %get3A_595 = arith.index_cast %scan3A_36 : i32 to index
        %get3A_596 = arith.constant 640 : index
        %get3A_597 = tpu.vector_load %arg9[%get3A_595, %get3A_596] {strides = array<i32>} : memref<64x768xf32, #tpu.memory_space<vmem>>, vector<1x16xf32>,
        %get3A_598 = vector.shape_cast %get3A_597 : vector<1x16xf32> to vector<16xf32>
        %get3A_599 = arith.index_cast %scan3A_36 : i32 to index
        %get3A_600 = arith.constant 640 : index
        %get3A_601 = tpu.vector_load %arg10[%get3A_599, %get3A_600] {strides = array<i32>} : memref<64x768xf32, #tpu.memory_space<vmem>>, vector<1x16xf32>,
        %get3A_602 = vector.shape_cast %get3A_601 : vector<1x16xf32> to vector<16xf32>
        %add3A_603 = arith.addf %get3A_598, %get3A_602 : vector<16xf32>
        %swap3A_604 = arith.index_cast %scan3A_36 : i32 to index
        %swap3A_605 = arith.constant 640 : index
        %swap3A_606 = tpu.vector_load %arg9[%swap3A_604, %swap3A_605] {strides = array<i32>} : memref<64x768xf32, #tpu.memory_space<vmem>>, vector<1x16xf32>,
        %swap3A_607 = vector.shape_cast %swap3A_606 : vector<1x16xf32> to vector<16xf32>
        %swap3A_608 = vector.shape_cast %add3A_603 : vector<16xf32> to vector<1x16xf32>
        tpu.vector_store %arg9[%swap3A_604, %swap3A_605], %swap3A_608 {strides = array<i32>} : memref<64x768xf32, #tpu.memory_space<vmem>>, vector<1x16xf32>,
        %get3A_609 = arith.index_cast %scan3A_36 : i32 to index
        %get3A_610 = arith.constant 656 : index
        %get3A_611 = tpu.vector_load %arg9[%get3A_609, %get3A_610] {strides = array<i32>} : memref<64x768xf32, #tpu.memory_space<vmem>>, vector<1x16xf32>,
        %get3A_612 = vector.shape_cast %get3A_611 : vector<1x16xf32> to vector<16xf32>
        %get3A_613 = arith.index_cast %scan3A_36 : i32 to index
        %get3A_614 = arith.constant 656 : index
        %get3A_615 = tpu.vector_load %arg10[%get3A_613, %get3A_614] {strides = array<i32>} : memref<64x768xf32, #tpu.memory_space<vmem>>, vector<1x16xf32>,
        %get3A_616 = vector.shape_cast %get3A_615 : vector<1x16xf32> to vector<16xf32>
        %add3A_617 = arith.addf %get3A_612, %get3A_616 : vector<16xf32>
        %swap3A_618 = arith.index_cast %scan3A_36 : i32 to index
        %swap3A_619 = arith.constant 656 : index
        %swap3A_620 = tpu.vector_load %arg9[%swap3A_618, %swap3A_619] {strides = array<i32>} : memref<64x768xf32, #tpu.memory_space<vmem>>, vector<1x16xf32>,
        %swap3A_621 = vector.shape_cast %swap3A_620 : vector<1x16xf32> to vector<16xf32>
        %swap3A_622 = vector.shape_cast %add3A_617 : vector<16xf32> to vector<1x16xf32>
        tpu.vector_store %arg9[%swap3A_618, %swap3A_619], %swap3A_622 {strides = array<i32>} : memref<64x768xf32, #tpu.memory_space<vmem>>, vector<1x16xf32>,
        %get3A_623 = arith.index_cast %scan3A_36 : i32 to index
        %get3A_624 = arith.constant 672 : index
        %get3A_625 = tpu.vector_load %arg9[%get3A_623, %get3A_624] {strides = array<i32>} : memref<64x768xf32, #tpu.memory_space<vmem>>, vector<1x16xf32>,
        %get3A_626 = vector.shape_cast %get3A_625 : vector<1x16xf32> to vector<16xf32>
        %get3A_627 = arith.index_cast %scan3A_36 : i32 to index
        %get3A_628 = arith.constant 672 : index
        %get3A_629 = tpu.vector_load %arg10[%get3A_627, %get3A_628] {strides = array<i32>} : memref<64x768xf32, #tpu.memory_space<vmem>>, vector<1x16xf32>,
        %get3A_630 = vector.shape_cast %get3A_629 : vector<1x16xf32> to vector<16xf32>
        %add3A_631 = arith.addf %get3A_626, %get3A_630 : vector<16xf32>
        %swap3A_632 = arith.index_cast %scan3A_36 : i32 to index
        %swap3A_633 = arith.constant 672 : index
        %swap3A_634 = tpu.vector_load %arg9[%swap3A_632, %swap3A_633] {strides = array<i32>} : memref<64x768xf32, #tpu.memory_space<vmem>>, vector<1x16xf32>,
        %swap3A_635 = vector.shape_cast %swap3A_634 : vector<1x16xf32> to vector<16xf32>
        %swap3A_636 = vector.shape_cast %add3A_631 : vector<16xf32> to vector<1x16xf32>
        tpu.vector_store %arg9[%swap3A_632, %swap3A_633], %swap3A_636 {strides = array<i32>} : memref<64x768xf32, #tpu.memory_space<vmem>>, vector<1x16xf32>,
        %get3A_637 = arith.index_cast %scan3A_36 : i32 to index
        %get3A_638 = arith.constant 688 : index
        %get3A_639 = tpu.vector_load %arg9[%get3A_637, %get3A_638] {strides = array<i32>} : memref<64x768xf32, #tpu.memory_space<vmem>>, vector<1x16xf32>,
        %get3A_640 = vector.shape_cast %get3A_639 : vector<1x16xf32> to vector<16xf32>
        %get3A_641 = arith.index_cast %scan3A_36 : i32 to index
        %get3A_642 = arith.constant 688 : index
        %get3A_643 = tpu.vector_load %arg10[%get3A_641, %get3A_642] {strides = array<i32>} : memref<64x768xf32, #tpu.memory_space<vmem>>, vector<1x16xf32>,
        %get3A_644 = vector.shape_cast %get3A_643 : vector<1x16xf32> to vector<16xf32>
        %add3A_645 = arith.addf %get3A_640, %get3A_644 : vector<16xf32>
        %swap3A_646 = arith.index_cast %scan3A_36 : i32 to index
        %swap3A_647 = arith.constant 688 : index
        %swap3A_648 = tpu.vector_load %arg9[%swap3A_646, %swap3A_647] {strides = array<i32>} : memref<64x768xf32, #tpu.memory_space<vmem>>, vector<1x16xf32>,
        %swap3A_649 = vector.shape_cast %swap3A_648 : vector<1x16xf32> to vector<16xf32>
        %swap3A_650 = vector.shape_cast %add3A_645 : vector<16xf32> to vector<1x16xf32>
        tpu.vector_store %arg9[%swap3A_646, %swap3A_647], %swap3A_650 {strides = array<i32>} : memref<64x768xf32, #tpu.memory_space<vmem>>, vector<1x16xf32>,
        %get3A_651 = arith.index_cast %scan3A_36 : i32 to index
        %get3A_652 = arith.constant 704 : index
        %get3A_653 = tpu.vector_load %arg9[%get3A_651, %get3A_652] {strides = array<i32>} : memref<64x768xf32, #tpu.memory_space<vmem>>, vector<1x16xf32>,
        %get3A_654 = vector.shape_cast %get3A_653 : vector<1x16xf32> to vector<16xf32>
        %get3A_655 = arith.index_cast %scan3A_36 : i32 to index
        %get3A_656 = arith.constant 704 : index
        %get3A_657 = tpu.vector_load %arg10[%get3A_655, %get3A_656] {strides = array<i32>} : memref<64x768xf32, #tpu.memory_space<vmem>>, vector<1x16xf32>,
        %get3A_658 = vector.shape_cast %get3A_657 : vector<1x16xf32> to vector<16xf32>
        %add3A_659 = arith.addf %get3A_654, %get3A_658 : vector<16xf32>
        %swap3A_660 = arith.index_cast %scan3A_36 : i32 to index
        %swap3A_661 = arith.constant 704 : index
        %swap3A_662 = tpu.vector_load %arg9[%swap3A_660, %swap3A_661] {strides = array<i32>} : memref<64x768xf32, #tpu.memory_space<vmem>>, vector<1x16xf32>,
        %swap3A_663 = vector.shape_cast %swap3A_662 : vector<1x16xf32> to vector<16xf32>
        %swap3A_664 = vector.shape_cast %add3A_659 : vector<16xf32> to vector<1x16xf32>
        tpu.vector_store %arg9[%swap3A_660, %swap3A_661], %swap3A_664 {strides = array<i32>} : memref<64x768xf32, #tpu.memory_space<vmem>>, vector<1x16xf32>,
        %get3A_665 = arith.index_cast %scan3A_36 : i32 to index
        %get3A_666 = arith.constant 720 : index
        %get3A_667 = tpu.vector_load %arg9[%get3A_665, %get3A_666] {strides = array<i32>} : memref<64x768xf32, #tpu.memory_space<vmem>>, vector<1x16xf32>,
        %get3A_668 = vector.shape_cast %get3A_667 : vector<1x16xf32> to vector<16xf32>
        %get3A_669 = arith.index_cast %scan3A_36 : i32 to index
        %get3A_670 = arith.constant 720 : index
        %get3A_671 = tpu.vector_load %arg10[%get3A_669, %get3A_670] {strides = array<i32>} : memref<64x768xf32, #tpu.memory_space<vmem>>, vector<1x16xf32>,
        %get3A_672 = vector.shape_cast %get3A_671 : vector<1x16xf32> to vector<16xf32>
        %add3A_673 = arith.addf %get3A_668, %get3A_672 : vector<16xf32>
        %swap3A_674 = arith.index_cast %scan3A_36 : i32 to index
        %swap3A_675 = arith.constant 720 : index
        %swap3A_676 = tpu.vector_load %arg9[%swap3A_674, %swap3A_675] {strides = array<i32>} : memref<64x768xf32, #tpu.memory_space<vmem>>, vector<1x16xf32>,
        %swap3A_677 = vector.shape_cast %swap3A_676 : vector<1x16xf32> to vector<16xf32>
        %swap3A_678 = vector.shape_cast %add3A_673 : vector<16xf32> to vector<1x16xf32>
        tpu.vector_store %arg9[%swap3A_674, %swap3A_675], %swap3A_678 {strides = array<i32>} : memref<64x768xf32, #tpu.memory_space<vmem>>, vector<1x16xf32>,
        %get3A_679 = arith.index_cast %scan3A_36 : i32 to index
        %get3A_680 = arith.constant 736 : index
        %get3A_681 = tpu.vector_load %arg9[%get3A_679, %get3A_680] {strides = array<i32>} : memref<64x768xf32, #tpu.memory_space<vmem>>, vector<1x16xf32>,
        %get3A_682 = vector.shape_cast %get3A_681 : vector<1x16xf32> to vector<16xf32>
        %get3A_683 = arith.index_cast %scan3A_36 : i32 to index
        %get3A_684 = arith.constant 736 : index
        %get3A_685 = tpu.vector_load %arg10[%get3A_683, %get3A_684] {strides = array<i32>} : memref<64x768xf32, #tpu.memory_space<vmem>>, vector<1x16xf32>,
        %get3A_686 = vector.shape_cast %get3A_685 : vector<1x16xf32> to vector<16xf32>
        %add3A_687 = arith.addf %get3A_682, %get3A_686 : vector<16xf32>
        %swap3A_688 = arith.index_cast %scan3A_36 : i32 to index
        %swap3A_689 = arith.constant 736 : index
        %swap3A_690 = tpu.vector_load %arg9[%swap3A_688, %swap3A_689] {strides = array<i32>} : memref<64x768xf32, #tpu.memory_space<vmem>>, vector<1x16xf32>,
        %swap3A_691 = vector.shape_cast %swap3A_690 : vector<1x16xf32> to vector<16xf32>
        %swap3A_692 = vector.shape_cast %add3A_687 : vector<16xf32> to vector<1x16xf32>
        tpu.vector_store %arg9[%swap3A_688, %swap3A_689], %swap3A_692 {strides = array<i32>} : memref<64x768xf32, #tpu.memory_space<vmem>>, vector<1x16xf32>,
        %get3A_693 = arith.index_cast %scan3A_36 : i32 to index
        %get3A_694 = arith.constant 752 : index
        %get3A_695 = tpu.vector_load %arg9[%get3A_693, %get3A_694] {strides = array<i32>} : memref<64x768xf32, #tpu.memory_space<vmem>>, vector<1x16xf32>,
        %get3A_696 = vector.shape_cast %get3A_695 : vector<1x16xf32> to vector<16xf32>
        %get3A_697 = arith.index_cast %scan3A_36 : i32 to index
        %get3A_698 = arith.constant 752 : index
        %get3A_699 = tpu.vector_load %arg10[%get3A_697, %get3A_698] {strides = array<i32>} : memref<64x768xf32, #tpu.memory_space<vmem>>, vector<1x16xf32>,
        %get3A_700 = vector.shape_cast %get3A_699 : vector<1x16xf32> to vector<16xf32>
        %add3A_701 = arith.addf %get3A_696, %get3A_700 : vector<16xf32>
        %swap3A_702 = arith.index_cast %scan3A_36 : i32 to index
        %swap3A_703 = arith.constant 752 : index
        %swap3A_704 = tpu.vector_load %arg9[%swap3A_702, %swap3A_703] {strides = array<i32>} : memref<64x768xf32, #tpu.memory_space<vmem>>, vector<1x16xf32>,
        %swap3A_705 = vector.shape_cast %swap3A_704 : vector<1x16xf32> to vector<16xf32>
        %swap3A_706 = vector.shape_cast %add3A_701 : vector<16xf32> to vector<1x16xf32>
        tpu.vector_store %arg9[%swap3A_702, %swap3A_703], %swap3A_706 {strides = array<i32>} : memref<64x768xf32, #tpu.memory_space<vmem>>, vector<1x16xf32>,
      }
      %scan3A_32 = arith.constant 64 : i32
      %mul3A_33 = arith.constant 64 : i32
      %mul3A_34 = arith.muli %scan3A_8, %mul3A_33 : i32
      %add3A_35 = arith.addi %mul3A_2, %mul3A_34 : i32
      "tpu.region"() ({
        %run_scoped3A = tpu.sem_alloc : memref<!tpu.dma_semaphore, #tpu.memory_space<semaphore_mem>>
        %dma_start3A_36 = arith.constant 0 : i32
        %dma_start3A_37 = tpu.memref_slice %arg6[%add3A_35, %dma_start3A_36] : memref<8192x768xf32, #tpu.memory_space<hbm>> -> memref<64x768xf32, #tpu.memory_space<hbm>>
        %dma_start3A_38 = arith.constant 0 : i32
        %dma_start3A_39 = tpu.memref_slice %arg6[%add3A_35, %dma_start3A_38] : memref<8192x768xf32, #tpu.memory_space<hbm>> -> memref<64x768xf32, #tpu.memory_space<hbm>>
        tpu.enqueue_dma source(%arg9 : memref<64x768xf32, #tpu.memory_space<vmem>>) target(%dma_start3A_39 : memref<64x768xf32, #tpu.memory_space<hbm>>) target_semaphore(%run_scoped3A : memref<!tpu.dma_semaphore, #tpu.memory_space<semaphore_mem>>)
        %dma_wait3A_40 = arith.constant 0 : i32
        %dma_wait3A_41 = tpu.memref_slice %arg6[%add3A_35, %dma_wait3A_40] : memref<8192x768xf32, #tpu.memory_space<hbm>> -> memref<64x768xf32, #tpu.memory_space<hbm>>
        %dma_wait3A_42 = arith.constant 0 : i32
        %dma_wait3A_43 = tpu.memref_slice %arg6[%add3A_35, %dma_wait3A_42] : memref<8192x768xf32, #tpu.memory_space<hbm>> -> memref<64x768xf32, #tpu.memory_space<hbm>>
        tpu.wait_dma2 semaphore(%run_scoped3A : memref<!tpu.dma_semaphore, #tpu.memory_space<semaphore_mem>>) src(%arg9 : memref<64x768xf32, #tpu.memory_space<vmem>>) dst(%dma_wait3A_43 : memref<64x768xf32, #tpu.memory_space<hbm>>)
        tpu.yield
      }) : () -> ()
    }
    %scan3A_7 = arith.constant 4 : i32
    return
  }
}

module attributes {stable_mosaic.version = 14 : i64} {
  func.func @_ln_body(%arg0: i32, %arg1: i32, %arg2: memref<1024x768xf32, #tpu.memory_space<vmem>>, %arg3: memref<1024x768xf32, #tpu.memory_space<vmem>>, %arg4: memref<1024x1xf32, #tpu.memory_space<vmem>>, %arg5: memref<2x768xf32, #tpu.memory_space<vmem>>, %arg6: memref<1x768xf32, #tpu.memory_space<vmem>>, %arg7: memref<1x768xf32, #tpu.memory_space<vmem>>, %arg8: memref<1024x768xf32, #tpu.memory_space<vmem>>) attributes {dimension_semantics = [#tpu.dimension_semantics<arbitrary>, #tpu.dimension_semantics<arbitrary>], iteration_bounds = array<i64: 2, 4>, scalar_prefetch = 0 : i64, scratch_operands = 0 : i64, tpu.core_type = #tpu.core_type<tc>, window_params = [{transform_indices = @transform_0, window_bounds = array<i64: 1024, 768>}, {transform_indices = @transform_1, window_bounds = array<i64: 1024, 768>}, {transform_indices = @transform_2, window_bounds = array<i64: 1024, 1>}, {pipeline_mode = #tpu.pipeline_mode<synchronous>, transform_indices = @transform_3, window_bounds = array<i64: 2, 768>}, {pipeline_mode = #tpu.pipeline_mode<synchronous>, transform_indices = @transform_4, window_bounds = array<i64: 1, 768>}, {pipeline_mode = #tpu.pipeline_mode<synchronous>, transform_indices = @transform_5, window_bounds = array<i64: 1, 768>}, {transform_indices = @transform_6, window_bounds = array<i64: 1024, 768>}]} {
    %get3A = arith.constant 0 : index
    %get3A_0 = arith.constant 0 : index
    %get3A_1 = vector.load %arg5[%get3A, %get3A_0] : memref<2x768xf32, #tpu.memory_space<vmem>>, vector<1x768xf32>
    %get3A_2 = arith.constant 1 : index
    %get3A_3 = arith.constant 0 : index
    %get3A_4 = vector.load %arg5[%get3A_2, %get3A_3] : memref<2x768xf32, #tpu.memory_space<vmem>>, vector<1x768xf32>
    %get3A_5 = arith.constant 0 : index
    %get3A_6 = arith.constant 0 : index
    %get3A_7 = vector.load %arg2[%get3A_5, %get3A_6] : memref<1024x768xf32, #tpu.memory_space<vmem>>, vector<1024x768xf32>
    %get3A_8 = arith.constant 0 : index
    %get3A_9 = arith.constant 0 : index
    %get3A_10 = vector.load %arg3[%get3A_8, %get3A_9] : memref<1024x768xf32, #tpu.memory_space<vmem>>, vector<1024x768xf32>
    %add3A = arith.addf %get3A_7, %get3A_10 : vector<1024x768xf32>
    %add3A_11 = vector.broadcast %get3A_1 : vector<1x768xf32> to vector<1024x768xf32>
    %add3A_12 = arith.addf %add3A, %add3A_11 : vector<1024x768xf32>
    %get3A_13 = arith.constant 0 : index
    %get3A_14 = arith.constant 0 : index
    %get3A_15 = vector.load %arg4[%get3A_13, %get3A_14] : memref<1024x1xf32, #tpu.memory_space<vmem>>, vector<1024x1xf32>
    %sub3A = arith.subf %get3A_4, %get3A_1 : vector<1x768xf32>
    %mul3A = vector.broadcast %get3A_15 : vector<1024x1xf32> to vector<1024x768xf32>
    %mul3A_16 = vector.broadcast %sub3A : vector<1x768xf32> to vector<1024x768xf32>
    %mul3A_17 = arith.mulf %mul3A, %mul3A_16 : vector<1024x768xf32>
    %add3A_18 = arith.addf %add3A_12, %mul3A_17 : vector<1024x768xf32>
    %reduce_sum3A = arith.constant dense<0.000000e+00> : vector<1024xf32>
    %reduce_sum3A_19 = vector.multi_reduction <add>, %add3A_18, %reduce_sum3A [1] : vector<1024x768xf32> to vector<1024xf32>
    %broadcast_in_dim3A = vector.shape_cast %reduce_sum3A_19 : vector<1024xf32> to vector<1024x1xf32>
    %div3A = arith.constant 7.680000e+02 : f32
    %div3A_20 = vector.broadcast %div3A : f32 to vector<1024x1xf32>
    %div3A_21 = arith.divf %broadcast_in_dim3A, %div3A_20 : vector<1024x1xf32>
    %sub3A_22 = vector.broadcast %div3A_21 : vector<1024x1xf32> to vector<1024x768xf32>
    %sub3A_23 = arith.subf %add3A_18, %sub3A_22 : vector<1024x768xf32>
    %mul3A_24 = arith.mulf %sub3A_23, %sub3A_23 : vector<1024x768xf32>
    %reduce_sum3A_25 = arith.constant dense<0.000000e+00> : vector<1024xf32>
    %reduce_sum3A_26 = vector.multi_reduction <add>, %mul3A_24, %reduce_sum3A_25 [1] : vector<1024x768xf32> to vector<1024xf32>
    %broadcast_in_dim3A_27 = vector.shape_cast %reduce_sum3A_26 : vector<1024xf32> to vector<1024x1xf32>
    %div3A_28 = arith.constant 7.680000e+02 : f32
    %div3A_29 = vector.broadcast %div3A_28 : f32 to vector<1024x1xf32>
    %div3A_30 = arith.divf %broadcast_in_dim3A_27, %div3A_29 : vector<1024x1xf32>
    %add3A_31 = arith.constant 9.99999996E-13 : f32
    %add3A_32 = vector.broadcast %add3A_31 : f32 to vector<1024x1xf32>
    %add3A_33 = arith.addf %div3A_30, %add3A_32 : vector<1024x1xf32>
    %rsqrt3A = math.rsqrt %add3A_33 : vector<1024x1xf32>
    %mul3A_34 = vector.broadcast %rsqrt3A : vector<1024x1xf32> to vector<1024x768xf32>
    %mul3A_35 = arith.mulf %sub3A_23, %mul3A_34 : vector<1024x768xf32>
    %get3A_36 = arith.constant 0 : index
    %get3A_37 = arith.constant 0 : index
    %get3A_38 = vector.load %arg6[%get3A_36, %get3A_37] : memref<1x768xf32, #tpu.memory_space<vmem>>, vector<1x768xf32>
    %mul3A_39 = vector.broadcast %get3A_38 : vector<1x768xf32> to vector<1024x768xf32>
    %mul3A_40 = arith.mulf %mul3A_35, %mul3A_39 : vector<1024x768xf32>
    %get3A_41 = arith.constant 0 : index
    %get3A_42 = arith.constant 0 : index
    %get3A_43 = vector.load %arg7[%get3A_41, %get3A_42] : memref<1x768xf32, #tpu.memory_space<vmem>>, vector<1x768xf32>
    %add3A_44 = vector.broadcast %get3A_43 : vector<1x768xf32> to vector<1024x768xf32>
    %add3A_45 = arith.addf %mul3A_40, %add3A_44 : vector<1024x768xf32>
    %swap3A = arith.constant 0 : index
    %swap3A_46 = arith.constant 0 : index
    %swap3A_47 = vector.load %arg8[%swap3A, %swap3A_46] : memref<1024x768xf32, #tpu.memory_space<vmem>>, vector<1024x768xf32>
    tpu.vector_store %arg8[%swap3A, %swap3A_46], %add3A_45 {strides = array<i32>} : memref<1024x768xf32, #tpu.memory_space<vmem>>, vector<1024x768xf32>,
    return
  }
  func.func @transform_0(%arg0: i32, %arg1: i32) -> (i32, i32) {
    %mul3A = arith.constant 2 : i32
    %mul3A_0 = arith.muli %arg1, %mul3A : i32
    %add3A = arith.addi %mul3A_0, %arg0 : i32
    %c0_i32 = arith.constant 0 : i32
    %c0_i32_1 = arith.constant 0 : i32
    return %add3A, %c0_i32 : i32, i32
  }
  func.func @transform_1(%arg0: i32, %arg1: i32) -> (i32, i32) {
    %c0_i32 = arith.constant 0 : i32
    %c0_i32_0 = arith.constant 0 : i32
    return %arg0, %c0_i32 : i32, i32
  }
  func.func @transform_2(%arg0: i32, %arg1: i32) -> (i32, i32) {
    %mul3A = arith.constant 2 : i32
    %mul3A_0 = arith.muli %arg1, %mul3A : i32
    %add3A = arith.addi %mul3A_0, %arg0 : i32
    %c0_i32 = arith.constant 0 : i32
    %c0_i32_1 = arith.constant 0 : i32
    return %add3A, %c0_i32 : i32, i32
  }
  func.func @transform_3(%arg0: i32, %arg1: i32) -> (i32, i32) {
    %c0_i32 = arith.constant 0 : i32
    %c0_i32_0 = arith.constant 0 : i32
    %c0_i32_1 = arith.constant 0 : i32
    return %c0_i32, %c0_i32_0 : i32, i32
  }
  func.func @transform_4(%arg0: i32, %arg1: i32) -> (i32, i32) {
    %c0_i32 = arith.constant 0 : i32
    %c0_i32_0 = arith.constant 0 : i32
    %c0_i32_1 = arith.constant 0 : i32
    return %c0_i32, %c0_i32_0 : i32, i32
  }
  func.func @transform_5(%arg0: i32, %arg1: i32) -> (i32, i32) {
    %c0_i32 = arith.constant 0 : i32
    %c0_i32_0 = arith.constant 0 : i32
    %c0_i32_1 = arith.constant 0 : i32
    return %c0_i32, %c0_i32_0 : i32, i32
  }
  func.func @transform_6(%arg0: i32, %arg1: i32) -> (i32, i32) {
    %mul3A = arith.constant 2 : i32
    %mul3A_0 = arith.muli %arg1, %mul3A : i32
    %add3A = arith.addi %mul3A_0, %arg0 : i32
    %c0_i32 = arith.constant 0 : i32
    %c0_i32_1 = arith.constant 0 : i32
    return %add3A, %c0_i32 : i32, i32
  }
}

</mosaic_0001>

<sc_bundles>
// kernel: kernel.4.cloned.1.call-start
scs
__scs_entry_jumppad:
0x0: {  	(pc) =	sbr.rel $0x88, $3  }
0x1: {  	(tag) =	ssettag $0x0;
	lr =	simm.s32 $0x1  }
0x2: {  	[smem:$0x3F98] =	sst lr;
	_ =	strace $0xD0000000  }
0x3: {  	_ = 	snop  }
0x4: {  	_ = 	snop  }
0x5: {  	_ = 	snop  }
0x6: {  	_ = 	snop  }
0x7: {  	_ = 	snop  }
__scs_overlays_trampoline_lowered:
0x8: {  	[smem:$0x3FA7] =	sst s0  }
0x9: {  	[smem:$0x3FA8] =	sst s1  }
0xa: {  	[smem:$0x3FA9] =	sst s2  }
0xb: {  	[smem:$0x3FAA] =	sst s3  }
0xc: {  	[smem:$0x3FAB] =	sst s4  }
0xd: {  	[smem:$0x3FAC] =	sst s5  }
0xe: {  	[smem:$0x3FAD] =	sst s6  }
0xf: {  	[smem:$0x3FAE] =	sst s7  }
0x10: {  	[smem:$0x3FAF] =	sst s8  }
0x11: {  	[smem:$0x3FB0] =	sst s9;
	s0 =	simm.s32 @!p0 $0x0  }
0x12: {  	s1 =	sld [smem:$0x3F96];
	s0 =	simm.s32 @p0 $0x1  }
0x13: {  	[smem:$0x3FB1] =	sst s0;
	s0 =	simm.s32 @!p1 $0x0  }
0x14: {  	s2 =	sld [smem:$0x3F95];
	s0 =	simm.s32 @p1 $0x1  }
0x15: {  	[smem:$0x3FB2] =	sst s0;
	s0 =	simm.s32 @!p2 $0x0  }
0x16: {  	s3 =	sld [smem:$0x3FDB];
	s0 =	simm.s32 @p2 $0x1  }
0x17: {  	s4 =	simm.s32 $0x1BF5;
	[smem:$0x3FB4] =	sst s0  }
0x18: {  	s0 =	sld [smem:$0x3F97];
	_ =	swait.ge [sflag:s4], $0x0  }
0x19: {  	s7 =	sld [smem:$0x3F98]  }
0x1a: {  	s8 =	sadd.s32 $0xFFFFE003, lr  }
0x1b: {  	s9 =	sadd.s32 $0xFFFFFEF7, lr;
	s5 =	simm.s32 $0xFFFFFFFF;
	p2 =	slt.u32 s8, $0xFFFFF086  }
0x1c: {  	p1 =	slt.u32 s9, $0xF7A;
	s5 =	simm.s32 @!p2 $0x0  }
0x1d: {  	s5 =	simm.s32 @p1 $0x1;
	p0 =	seq.s32 s7, s2  }
0x1e: {  	s7 =	smul.u32 @!p0 $0xF7A, s2;
	p2 =	seq.s32 @!p0 s5, $0x0  }
0x1f: {  	s9 =	smul.u32 $0xF7A, s1;
	s8 =	simm.s32 @!p0 $0x1BF5;
	p2 =	por !p2, p0  }
0x20: {  	[sflag:s8] =	ssyncset.s32 @!p0 $0xFFFFF086;
	s6 =	sadd.s32 @!p0 s3, s7;
	s7 =	simm.s32 @!p0 $0x108  }
0x21: {  	s3 =	sadd.s32 s3, s9;
	s6 =	sadd.s32 @!p0 $0x88, s6;
	s7 =	simm.s32 @p2 $0x1082  }
0x22: {  	[simem:s7], [sflag:s8] =	dma.local @!p0 [hbm:s6], $0xF7A  }
0x23: {  	s9 =	sor.u32 $0xD0000000, s2;
	s6 =	simm.s32 $0x108;
	_ =	swait.ge @!p0 [sflag:s8], $0x0  }
0x24: {  	s3 =	sadd.s32 $0x88, s3;
	s6 =	simm.s32 @!p1 $0x1082;
	[sflag:s4] =	ssyncset.s32 $0xFFFFF086  }
0x25: {  	[simem:s6], [sflag:s4] =	dma.local [hbm:s3], $0xF7A  }
0x26: {  	[smem:$0x3F98] =	sst s1;
	(tag) =	ssettag s2;
	_ =	strace s9  }
0x27: {  	s1 =	sld [smem:$0x3FA8]  }
0x28: {  	s2 =	sld [smem:$0x3FA9]  }
0x29: {  	s4 =	sld [smem:$0x3FAB]  }
0x2a: {  	p0 =	seq.s32 s5, $0x0;
	s5 =	sld [smem:$0x3FAC]  }
0x2b: {  	s6 =	sld [smem:$0x3FAD]  }
0x2c: {  	s7 =	sld [smem:$0x3FAE]  }
0x2d: {  	s3 =	simm.s32 $0x108;
	s8 =	sld [smem:$0x3FAF]  }
0x2e: {  	s3 =	simm.s32 @!p0 $0x1082;
	s9 =	sld [smem:$0x3FB0]  }
0x2f: {  	lr =	sadd.s32 s0, s3;
	s0 =	sld [smem:$0x3FA7]  }
0x30: {  	s3 =	sld [smem:$0x3FAA]  }
0x31: {  	[smem:$0x3FB3] =	sst s10  }
0x32: {  	s10 =	sld [smem:$0x3FB1];
	_ =	sdelay $0x3  }
0x33: {  	p0 =	seq.s32 s10, $0x1;
	s10 =	sld [smem:$0x3FB3];
	_ =	sdelay $0x3  }
0x34: {  	[smem:$0x3FB3] =	sst s10  }
0x35: {  	s10 =	sld [smem:$0x3FB2];
	_ =	sdelay $0x3  }
0x36: {  	p1 =	seq.s32 s10, $0x1;
	s10 =	sld [smem:$0x3FB3];
	_ =	sdelay $0x3  }
0x37: {  	[smem:$0x3FB3] =	sst s10  }
0x38: {  	s10 =	sld [smem:$0x3FB4]  }
0x39: {  	_ = 	snop;
	(pc) =	sbr.ind lr, $3  }
0x3a: {  	_ = 	snop  }
0x3b: {  	_ = 	snop  }
0x3c: {  	p2 =	seq.s32 s10, $0x1;
	s10 =	sld [smem:$0x3FB3]  }
0x3d: {  	_ =	shalt  }
0x3e: {  	_ =	shalt  }
0x3f: {  	_ =	shalt  }
0x40: {  	_ =	shalt  }
0x41: {  	_ =	shalt  }
0x42: {  	_ =	shalt  }
0x43: {  	_ =	shalt  }
0x44: {  	_ =	shalt  }
0x45: {  	_ =	shalt  }
0x46: {  	_ =	shalt  }
0x47: {  	_ =	shalt  }
0x48: {  	_ =	shalt  }
0x49: {  	_ =	shalt  }
0x4a: {  	_ =	shalt  }
0x4b: {  	_ =	shalt  }
0x4c: {  	_ =	shalt  }
0x4d: {  	_ =	shalt  }
0x4e: {  	_ =	shalt  }
0x4f: {  	_ =	shalt  }
0x50: {  	_ =	shalt  }
0x51: {  	_ =	shalt  }
0x52: {  	_ =	shalt  }
0x53: {  	_ =	shalt  }
0x54: {  	_ =	shalt  }
0x55: {  	_ =	shalt  }
0x56: {  	_ =	shalt  }
0x57: {  	_ =	shalt  }
0x58: {  	_ =	shalt  }
0x59: {  	_ =	shalt  }
0x5a: {  	_ =	shalt  }
0x5b: {  	_ =	shalt  }
0x5c: {  	_ =	shalt  }
0x5d: {  	_ =	shalt  }
0x5e: {  	_ =	shalt  }
0x5f: {  	_ =	shalt  }
0x60: {  	_ =	shalt  }
0x61: {  	_ =	shalt  }
0x62: {  	_ =	shalt  }
0x63: {  	_ =	shalt  }
0x64: {  	_ =	shalt  }
0x65: {  	_ =	shalt  }
0x66: {  	_ =	shalt  }
0x67: {  	_ =	shalt  }
0x68: {  	_ =	shalt  }
0x69: {  	_ =	shalt  }
0x6a: {  	_ =	shalt  }
0x6b: {  	_ =	shalt  }
0x6c: {  	_ =	shalt  }
0x6d: {  	_ =	shalt  }
0x6e: {  	_ =	shalt  }
0x6f: {  	_ =	shalt  }
0x70: {  	_ =	shalt  }
0x71: {  	_ =	shalt  }
0x72: {  	_ =	shalt  }
0x73: {  	_ =	shalt  }
0x74: {  	_ =	shalt  }
0x75: {  	_ =	shalt  }
0x76: {  	_ =	shalt  }
0x77: {  	_ =	shalt  }
0x78: {  	_ =	shalt  }
0x79: {  	_ =	shalt  }
0x7a: {  	_ =	shalt  }
0x7b: {  	_ =	shalt  }
0x7c: {  	_ =	shalt  }
0x7d: {  	_ =	shalt  }
0x7e: {  	_ =	shalt  }
0x7f: {  	_ =	shalt  }
0x80: {  	_ =	shalt  }
0x81: {  	_ =	shalt  }
0x82: {  	_ =	shalt  }
0x83: {  	_ =	shalt  }
0x84: {  	_ =	shalt  }
0x85: {  	_ =	shalt  }
0x86: {  	_ =	shalt  }
0x87: {  	_ =	shalt  }
.Lfunc_end0:
.L_simem_size_0:
called_computation_lowered:
.L_overlay_start_0:
0x88: {  	s2 =	sld [smem:$0x3FD9]  }
0x89: {  	s3 =	sld [smem:$0x3FFE];
	_ =	sdelay $0x1  }
0x8a: {  	s1 =	srdreg.scid  }
0x8b: {  	s0 =	sand.u32 $0x1, s1  }
0x8c: {  	s17 =	sshll.u32 s0, $0xA;
	s2 =	sadd.s32 s3, s2  }
0x8d: {  	s2 =	sadd.s32 s2, s17  }
0x8e: {  	[smem:$0x3FBF] =	sst s2  }
0x8f: {  	_ = 	snop  }
0x90: {  	s2 =	sld [smem:$0x3FC6]  }
0x91: {  	s18 =	sld [smem:$0x3FC3]  }
0x92: {  	s4 =	sld [smem:$0x3FD0];
	(tm) =	ssettm $0x1  }
0x93: {  	s5 =	sld [smem:$0x3FFB];
	_ =	sdelay $0x3  }
0x94: {  	_ =	strace s5  }
0x95: {  	s5 =	sld [smem:$0x3FFC];
	_ =	sdelay $0x3  }
0x96: {  	_ =	strace s5  }
0x97: {  	s5 =	sld [smem:$0x3FFD];
	_ =	sdelay $0x3  }
0x98: {  	_ =	strace s5  }
0x99: {  	_ =	strace $0x8FFFFFFF  }
0x9a: {  	s19 =	sld [smem:$0x3FDB];
	_ =	sdelay $0x1  }
0x9b: {  	s6 =	simm.s32 $_scs_section_size  }
0x9c: {  	s7 =	simm.s32 $_size__tile_overlayer_lowered;
	s8 =	simm.s32 $_tile_overlayer_lowered  }
0x9d: {  	s22 =	simm.s32 $0x1BFF;
	s21 =	sshll.u32 s8, $0x1;
	s5 =	sadd.s32 s6, s19  }
0x9e: {  	s9 =	simm.s32 $0x0;
	s20 =	sshll.u32 s7, $0x1;
	s7 =	sadd.s32 s21, s5  }
0x9f: {  	[timem:s9], [sflag:s22] =	dma.local [hbm:s7], s20  }
0xa0: {  	_ =	swait.ge [sflag:s22], s20  }
0xa1: {  	s6 =	ssub.s32 $0x0, s20;
	[sflag:s22] =	ssyncset.done $0x0  }
0xa2: {  	[sflag:s22] =	ssyncadd.s32 s6;
	_ =	sdelay $0x1  }
0xa3: {  	s23 =	simm.s32 $0x1B8B  }
0xa4: {  	_ =	swait.ge [sflag:s23], $0x1  }
0xa5: {  	[sflag:s23] =	ssyncset.done $0x0  }
0xa6: {  	s25 =	simm.s32 $0x1B8E;
	s24 =	sld [smem:$0x3FFE];
	[sflag:s23] =	ssyncadd.s32 $0xFFFFFFFF  }
0xa7: {  	s26 =	simm.s32 $execute0_lowered;
	[smem:$0x3FD2] =	sst s25  }
0xa8: {  	s7 =	sshll.u32 s26, $0x1;
	_ =	strace $0x80000046;
	[dreg:$0x1] =	wrdreg $0xFFFFFFFF  }
0xa9: {  	s28 =	simm.s32 $_size_execute0_lowered;
	s5 =	sadd.s32 s5, s7;
	[dreg:$0x0] =	wrdreg $0x0  }
0xaa: {  	s7 =	sshll.u32 s28, $0x1;
	[dreg:$0x2] =	wrdreg s5  }
0xab: {  	[dreg:$0x3] =	wrdreg s7  }
0xac: {  	[dreg:$0x4] =	wrdreg $0xC0  }
0xad: {  	_ =	task [dreg:s9], $0x5FFFF  }
0xae: {  	[dreg:$0x1] =	wrdreg $0xFFFFFFFF  }
0xaf: {  	[dreg:$0x0] =	wrdreg $0x60  }
0xb0: {  	[dreg:$0x2] =	wrdreg s2  }
0xb1: {  	[dreg:$0x3] =	wrdreg s18  }
0xb2: {  	[dreg:$0x4] =	wrdreg s4  }
0xb3: {  	[dreg:$0x5] =	wrdreg s24  }
0xb4: {  	[dreg:$0x6] =	wrdreg $0x9  }
0xb5: {  	_ =	task.clear_ibuf [dreg:s9], $0x7FFFF;
	_ =	strace $0x90000046  }
0xb6: {  	s29 =	simm.s32 $0x9;
	_ =	strace $0x80000048  }
0xb7: {  	_ =	swait.ge [sflag:s29], $0x1  }
0xb8: {  	[sflag:s29] =	ssyncadd.s32 $0xFFFFFFFF  }
0xb9: {  	_ =	strace $0x90000048  }
0xba: {  	_ =	sfence  }
0xbb: {  	s30 =	sld [smem:$0x0];
	_ =	sdelay $0x2  }
0xbc: {  	s31 =	sshll.u32 s1, $0xD;
	s1 =	sshrl.u32 s1, $0x2  }
0xbd: {  	s3 =	sand.u32 $0x4000, s31;
	s1 =	sadd.s32 s1, s30  }
0xbe: {  	s0 =	sor.u32 s3, s0;
	s1 =	sshll.u32 s1, $0x11  }
0xbf: {  	s0 =	sor.u32 s1, s0  }
0xc0: {  	s0 =	sadd.s32 $0x8F2B, s0  }
0xc1: {  	[sflag:s0] =	ssyncadd.remote.s32 $0x1  }
0xc2: {  	_ =	sfence.sel $0xFFFF  }
0xc3: {  	[dreg:$0x0] =	wrdreg $0xFFFFFFFF;
	(pc) =	sbr.abs _section_cstart, $3  }
0xc4: {  	[dreg:$0x1] =	wrdreg $0xFFFFFFFF  }
0xc5: {  	_ =	task.clear_ibuf [dreg:s9], $0x2FFFF;
	_ =	strace $0x9FFFFFFF  }
0xc6: {  	(tm) =	ssettm $0x7FFFFFFF  }
0xc7: {  	_ =	shalt  }
tec
execute0_lowered:
.L_overlay_start_1:
0x0: {  	(tag) =	ssettag $0x1  }
0x1: {  	s1 =	rddreg [dreg:$0x0]  }
0x2: {  	s2 =	rddreg [dreg:$0x1]  }
0x3: {  	s0 =	rddreg [dreg:$0x2]  }
0x4: {  	s3 =	rddreg [dreg:$0x3]  }
0x5: {  	s4 =	srdreg.scid;
	s5 =	stileid.u32  }
0x6: {  	s7 =	simm.s32 $0x0;
	s14 =	simm.s32 $0x3;
	s16 =	simm.s32 $0x200  }
0x7: {  	s15 =	simm.s32 $0x12A00;
	s13 =	simm.s32 $0x14200;
	s17 =	simm.s32 $0x14A00  }
0x8: {  	s18 =	simm.s32 $0x15200;
	s19 =	simm.s32 $0x15A00;
	s20 =	simm.s32 $0x16200  }
0x9: {  	s21 =	simm.s32 $0x17200;
	s22 =	simm.s32 $0x17A00;
	s23 =	simm.s32 $0x1  }
0xa: {  	s24 =	simm.s32 $0x2;
	s4 =	sand.u32 $0x1, s4;
	s5 =	sshll.u32 s5, $0x9  }
0xb: {  	[smem:$0x7FF] =	sst s7;
	s10 =	sadd.s32 $0x200, s1;
	s11 =	sadd.s32 $0x100, s2  }
0xc: {  	s12 =	sadd.s32 $0x200, s2;
	s7 =	simm.s32 $0x13200;
	s6 =	sshll.u32 s4, $0x8  }
0xd: {  	s4 =	ssub.s32 $0x2, s4;
	_ =	strace $0x80000047;
	s5 =	sor.u32 s6, s5  }
0xe: {  	s8 =	sshrl.u32 s4, $0x1;
	s6 =	sadd.s32 $0x1200, s3;
	s28 =	sshrl.u32 s5, $0x3  }
0xf: {  	s29 =	ssub.s32 s4, s8;
	s8 =	simm.s32 $0x13A00;
	s0 =	sadd.s32 s0, s28  }
0x10: {  	v2 =	vlaneseq.u32;
	s9 =	sadd.s32 s28, s3;
	s31 =	smax.u32 s29, $0x1;
	[dreg:$0x5] =	wrdreg s0  }
0x11: {  	vm0 =	vmmov $0xffff;
	v1 =	vshrl.u32 v2, $0x3;
	s4 =	simm.s32 $0x16A00;
	s30 =	sadd.s32 $0xE00, s9;
	[dreg:$0x7] =	wrdreg s31  }
0x12: {  	v0 =	vand.u32 $0x7, v2;
	v2 =	vor.u32 $0x8, v2;
	v1 =	vmul.u32 $0x8, v1;
	s3 =	simm.s32 $0x0;
	s9 =	sadd.s32 $0x100, s1;
	[dreg:$0x6] =	wrdreg s30  }
.LBB2_1:
0x13: {  	[dreg:$0x8] =	wrdreg s3  }
0x14: {  	s0 =	simm.s32 $0x0;
	s31 =	rddreg [dreg:$0x5]  }
0x15: {  	[tilespmem:s0], [sflag:$0x3] =	stream.linear.gather [hbm4b:s31+s0], $0x100, $0x38;
	[tilespmem:$0x18200] =	vst v63  }
0x16: {  	_ =	swait.ge [sflag:s14], $0x100  }
0x17: {  	[sflag:s14] =	ssyncset.done $0x0  }
0x18: {  	s26 =	simm.s32 $0x100;
	s25 =	rddreg [dreg:$0x6];
	[sflag:s14] =	ssyncadd.s32 $0xFFFFFF00  }
0x19: {  	[tilespmem:s26], [sflag:$0x3] =	stream.linear.gather [hbm4b:s25+s0], $0x100, $0x38;
	[tilespmem:$0x18200] =	vst v63  }
0x1a: {  	_ =	swait.ge [sflag:s14], $0x100  }
0x1b: {  	[sflag:s14] =	ssyncset.done $0x0  }
0x1c: {  	s3 =	simm.s32 $0x0;
	s25 =	simm.s32 $0x0;
	[sflag:s14] =	ssyncadd.s32 $0xFFFFFF00  }
.LBB2_2:
0x1d: {  	s26 =	sshll.u32 s25, $0x6  }
0x1e: {  	v3 =	vld [tilespmem:s26+$0x0];
	_ =	sdelay $0x4  }
0x1f: {  	v4 =	vshrl.u32 v3, $0x3  }
0x20: {  	v4 =	vmul.u32 $0x30, v4  }
0x21: {  	v3 =	vand.u32 $0x7, v3  }
0x22: {  	v3 =	vor.u32 v3, v4  }
0x23: {  	v4 =	vperm.xlane v3, v0;
	_ =	sdelay $0x1  }
0x24: {  	v4 =	vadd.s32 v1, v4;
	_ =	sdelay $0x3  }
0x25: {  	s28 =	simm.s32 $0x0;
	v3 =	vperm.xlane v3, v2  }
0x26: {  	[tilespmem:s16], [sflag:$0x1] =	stream.indirect_vreg.gather [hbm4b:s1+s28], $0x80, v4, vm0, $0xb8;
	[tilespmem:$0x18200] =	vst v63  }
0x27: {  	s0 =	simm.s32 $0xA00;
	v3 =	vadd.s32 v1, v3  }
0x28: {  	[tilespmem:s0], [sflag:$0x1] =	stream.indirect_vreg.gather [hbm4b:s9+s28], $0x80, v4, vm0, $0xb8;
	[tilespmem:$0x18200] =	vst v63  }
0x29: {  	s31 =	simm.s32 $0x1200  }
0x2a: {  	[tilespmem:s31], [sflag:$0x1] =	stream.indirect_vreg.gather [hbm4b:s10+s28], $0x80, v4, vm0, $0xb8;
	[tilespmem:$0x18200] =	vst v63  }
0x2b: {  	s31 =	simm.s32 $0x1A00  }
0x2c: {  	[tilespmem:s31], [sflag:$0x1] =	stream.indirect_vreg.gather [hbm4b:s1+s28], $0x80, v3, vm0, $0xb8;
	[tilespmem:$0x18200] =	vst v63  }
0x2d: {  	s31 =	simm.s32 $0x2200  }
0x2e: {  	[tilespmem:s31], [sflag:$0x1] =	stream.indirect_vreg.gather [hbm4b:s9+s28], $0x80, v3, vm0, $0xb8;
	[tilespmem:$0x18200] =	vst v63  }
0x2f: {  	s31 =	simm.s32 $0x2A00  }
0x30: {  	[tilespmem:s31], [sflag:$0x1] =	stream.indirect_vreg.gather [hbm4b:s10+s28], $0x80, v3, vm0, $0xb8;
	[tilespmem:$0x18200] =	vst v63  }
0x31: {  	v3 =	vld [tilespmem:s26+$0x10];
	_ =	sdelay $0x4  }
0x32: {  	v4 =	vshrl.u32 v3, $0x3  }
0x33: {  	v4 =	vmul.u32 $0x30, v4  }
0x34: {  	v3 =	vand.u32 $0x7, v3  }
0x35: {  	v3 =	vor.u32 v3, v4  }
0x36: {  	v4 =	vperm.xlane v3, v0;
	_ =	sdelay $0x1  }
0x37: {  	v4 =	vadd.s32 v1, v4;
	_ =	sdelay $0x3  }
0x38: {  	s31 =	simm.s32 $0x3200;
	v3 =	vperm.xlane v3, v2  }
0x39: {  	[tilespmem:s31], [sflag:$0x1] =	stream.indirect_vreg.gather [hbm4b:s1+s28], $0x80, v4, vm0, $0xb8;
	[tilespmem:$0x18200] =	vst v63  }
0x3a: {  	v3 =	vadd.s32 v1, v3;
	s31 =	simm.s32 $0x3A00  }
0x3b: {  	[tilespmem:s31], [sflag:$0x1] =	stream.indirect_vreg.gather [hbm4b:s9+s28], $0x80, v4, vm0, $0xb8;
	[tilespmem:$0x18200] =	vst v63  }
0x3c: {  	s31 =	simm.s32 $0x4200  }
0x3d: {  	[tilespmem:s31], [sflag:$0x1] =	stream.indirect_vreg.gather [hbm4b:s10+s28], $0x80, v4, vm0, $0xb8;
	[tilespmem:$0x18200] =	vst v63  }
0x3e: {  	s31 =	simm.s32 $0x4A00  }
0x3f: {  	[tilespmem:s31], [sflag:$0x1] =	stream.indirect_vreg.gather [hbm4b:s1+s28], $0x80, v3, vm0, $0xb8;
	[tilespmem:$0x18200] =	vst v63  }
0x40: {  	s31 =	simm.s32 $0x5200  }
0x41: {  	[tilespmem:s31], [sflag:$0x1] =	stream.indirect_vreg.gather [hbm4b:s9+s28], $0x80, v3, vm0, $0xb8;
	[tilespmem:$0x18200] =	vst v63  }
0x42: {  	s31 =	simm.s32 $0x5A00  }
0x43: {  	[tilespmem:s31], [sflag:$0x1] =	stream.indirect_vreg.gather [hbm4b:s10+s28], $0x80, v3, vm0, $0xb8;
	[tilespmem:$0x18200] =	vst v63  }
0x44: {  	v3 =	vld [tilespmem:s26+$0x20];
	_ =	sdelay $0x4  }
0x45: {  	v4 =	vshrl.u32 v3, $0x3  }
0x46: {  	v4 =	vmul.u32 $0x30, v4  }
0x47: {  	v3 =	vand.u32 $0x7, v3  }
0x48: {  	v3 =	vor.u32 v3, v4  }
0x49: {  	v4 =	vperm.xlane v3, v0;
	_ =	sdelay $0x1  }
0x4a: {  	v4 =	vadd.s32 v1, v4;
	_ =	sdelay $0x3  }
0x4b: {  	s31 =	simm.s32 $0x6200;
	v3 =	vperm.xlane v3, v2  }
0x4c: {  	[tilespmem:s31], [sflag:$0x1] =	stream.indirect_vreg.gather [hbm4b:s1+s28], $0x80, v4, vm0, $0xb8;
	[tilespmem:$0x18200] =	vst v63  }
0x4d: {  	v3 =	vadd.s32 v1, v3;
	s31 =	simm.s32 $0x6A00  }
0x4e: {  	[tilespmem:s31], [sflag:$0x1] =	stream.indirect_vreg.gather [hbm4b:s9+s28], $0x80, v4, vm0, $0xb8;
	[tilespmem:$0x18200] =	vst v63  }
0x4f: {  	s31 =	simm.s32 $0x7200  }
0x50: {  	[tilespmem:s31], [sflag:$0x1] =	stream.indirect_vreg.gather [hbm4b:s10+s28], $0x80, v4, vm0, $0xb8;
	[tilespmem:$0x18200] =	vst v63  }
0x51: {  	s31 =	simm.s32 $0x7A00  }
0x52: {  	[tilespmem:s31], [sflag:$0x1] =	stream.indirect_vreg.gather [hbm4b:s1+s28], $0x80, v3, vm0, $0xb8;
	[tilespmem:$0x18200] =	vst v63  }
0x53: {  	s31 =	simm.s32 $0x8200  }
0x54: {  	[tilespmem:s31], [sflag:$0x1] =	stream.indirect_vreg.gather [hbm4b:s9+s28], $0x80, v3, vm0, $0xb8;
	[tilespmem:$0x18200] =	vst v63  }
0x55: {  	s31 =	simm.s32 $0x8A00  }
0x56: {  	[tilespmem:s31], [sflag:$0x1] =	stream.indirect_vreg.gather [hbm4b:s10+s28], $0x80, v3, vm0, $0xb8;
	[tilespmem:$0x18200] =	vst v63  }
0x57: {  	v3 =	vld [tilespmem:s26+$0x30];
	_ =	sdelay $0x4  }
0x58: {  	v4 =	vshrl.u32 v3, $0x3  }
0x59: {  	v4 =	vmul.u32 $0x30, v4  }
0x5a: {  	v3 =	vand.u32 $0x7, v3  }
0x5b: {  	v3 =	vor.u32 v3, v4  }
0x5c: {  	v4 =	vperm.xlane v3, v0;
	_ =	sdelay $0x1  }
0x5d: {  	v4 =	vadd.s32 v1, v4;
	_ =	sdelay $0x3  }
0x5e: {  	s31 =	simm.s32 $0x9200;
	v3 =	vperm.xlane v3, v2  }
0x5f: {  	[tilespmem:s31], [sflag:$0x1] =	stream.indirect_vreg.gather [hbm4b:s1+s28], $0x80, v4, vm0, $0xb8;
	[tilespmem:$0x18200] =	vst v63  }
0x60: {  	v3 =	vadd.s32 v1, v3;
	s31 =	simm.s32 $0x9A00  }
0x61: {  	[tilespmem:s31], [sflag:$0x1] =	stream.indirect_vreg.gather [hbm4b:s9+s28], $0x80, v4, vm0, $0xb8;
	[tilespmem:$0x18200] =	vst v63  }
0x62: {  	s31 =	simm.s32 $0xA200  }
0x63: {  	[tilespmem:s31], [sflag:$0x1] =	stream.indirect_vreg.gather [hbm4b:s10+s28], $0x80, v4, vm0, $0xb8;
	[tilespmem:$0x18200] =	vst v63  }
0x64: {  	s31 =	simm.s32 $0xAA00  }
0x65: {  	[tilespmem:s31], [sflag:$0x1] =	stream.indirect_vreg.gather [hbm4b:s1+s28], $0x80, v3, vm0, $0xb8;
	[tilespmem:$0x18200] =	vst v63  }
0x66: {  	s31 =	simm.s32 $0xB200  }
0x67: {  	[tilespmem:s31], [sflag:$0x1] =	stream.indirect_vreg.gather [hbm4b:s9+s28], $0x80, v3, vm0, $0xb8;
	[tilespmem:$0x18200] =	vst v63  }
0x68: {  	s31 =	simm.s32 $0xBA00  }
0x69: {  	[tilespmem:s31], [sflag:$0x1] =	stream.indirect_vreg.gather [hbm4b:s10+s28], $0x80, v3, vm0, $0xb8;
	[tilespmem:$0x18200] =	vst v63  }
0x6a: {  	v3 =	vld [tilespmem:s26+$0x100];
	_ =	sdelay $0x4  }
0x6b: {  	v4 =	vshrl.u32 v3, $0x3  }
0x6c: {  	v4 =	vmul.u32 $0x30, v4  }
0x6d: {  	v3 =	vand.u32 $0x7, v3  }
0x6e: {  	v3 =	vor.u32 v3, v4  }
0x6f: {  	v4 =	vperm.xlane v3, v0;
	_ =	sdelay $0x1  }
0x70: {  	v4 =	vadd.s32 v1, v4;
	_ =	sdelay $0x3  }
0x71: {  	s31 =	simm.s32 $0xC200;
	v3 =	vperm.xlane v3, v2  }
0x72: {  	[tilespmem:s31], [sflag:$0x2] =	stream.indirect_vreg.gather [hbm4b:s2+s28], $0x80, v4, vm0, $0xb8;
	[tilespmem:$0x18200] =	vst v63  }
0x73: {  	v3 =	vadd.s32 v1, v3;
	s31 =	simm.s32 $0xCA00  }
0x74: {  	[tilespmem:s31], [sflag:$0x2] =	stream.indirect_vreg.gather [hbm4b:s11+s28], $0x80, v4, vm0, $0xb8;
	[tilespmem:$0x18200] =	vst v63  }
0x75: {  	s31 =	simm.s32 $0xD200  }
0x76: {  	[tilespmem:s31], [sflag:$0x2] =	stream.indirect_vreg.gather [hbm4b:s12+s28], $0x80, v4, vm0, $0xb8;
	[tilespmem:$0x18200] =	vst v63  }
0x77: {  	s31 =	simm.s32 $0xDA00  }
0x78: {  	[tilespmem:s31], [sflag:$0x2] =	stream.indirect_vreg.gather [hbm4b:s2+s28], $0x80, v3, vm0, $0xb8;
	[tilespmem:$0x18200] =	vst v63  }
0x79: {  	s31 =	simm.s32 $0xE200  }
0x7a: {  	[tilespmem:s31], [sflag:$0x2] =	stream.indirect_vreg.gather [hbm4b:s11+s28], $0x80, v3, vm0, $0xb8;
	[tilespmem:$0x18200] =	vst v63  }
0x7b: {  	s31 =	simm.s32 $0xEA00  }
0x7c: {  	[tilespmem:s31], [sflag:$0x2] =	stream.indirect_vreg.gather [hbm4b:s12+s28], $0x80, v3, vm0, $0xb8;
	[tilespmem:$0x18200] =	vst v63  }
0x7d: {  	v3 =	vld [tilespmem:s26+$0x110];
	_ =	sdelay $0x4  }
0x7e: {  	v4 =	vshrl.u32 v3, $0x3  }
0x7f: {  	v4 =	vmul.u32 $0x30, v4  }
0x80: {  	v3 =	vand.u32 $0x7, v3  }
0x81: {  	v3 =	vor.u32 v3, v4  }
0x82: {  	v4 =	vperm.xlane v3, v0;
	_ =	sdelay $0x1  }
0x83: {  	v4 =	vadd.s32 v1, v4;
	_ =	sdelay $0x3  }
0x84: {  	s31 =	simm.s32 $0xF200;
	v3 =	vperm.xlane v3, v2  }
0x85: {  	[tilespmem:s31], [sflag:$0x2] =	stream.indirect_vreg.gather [hbm4b:s2+s28], $0x80, v4, vm0, $0xb8;
	[tilespmem:$0x18200] =	vst v63  }
0x86: {  	v3 =	vadd.s32 v1, v3;
	s31 =	simm.s32 $0xFA00  }
0x87: {  	[tilespmem:s31], [sflag:$0x2] =	stream.indirect_vreg.gather [hbm4b:s11+s28], $0x80, v4, vm0, $0xb8;
	[tilespmem:$0x18200] =	vst v63  }
0x88: {  	s31 =	simm.s32 $0x10200  }
0x89: {  	[tilespmem:s31], [sflag:$0x2] =	stream.indirect_vreg.gather [hbm4b:s12+s28], $0x80, v4, vm0, $0xb8;
	[tilespmem:$0x18200] =	vst v63  }
0x8a: {  	s31 =	simm.s32 $0x10A00  }
0x8b: {  	[tilespmem:s31], [sflag:$0x2] =	stream.indirect_vreg.gather [hbm4b:s2+s28], $0x80, v3, vm0, $0xb8;
	[tilespmem:$0x18200] =	vst v63  }
0x8c: {  	s31 =	simm.s32 $0x11200  }
0x8d: {  	[tilespmem:s31], [sflag:$0x2] =	stream.indirect_vreg.gather [hbm4b:s11+s28], $0x80, v3, vm0, $0xb8;
	[tilespmem:$0x18200] =	vst v63  }
0x8e: {  	s31 =	simm.s32 $0x11A00  }
0x8f: {  	[tilespmem:s31], [sflag:$0x2] =	stream.indirect_vreg.gather [hbm4b:s12+s28], $0x80, v3, vm0, $0xb8;
	[tilespmem:$0x18200] =	vst v63  }
0x90: {  	v3 =	vld [tilespmem:s26+$0x120];
	_ =	sdelay $0x4  }
0x91: {  	v4 =	vshrl.u32 v3, $0x3  }
0x92: {  	v4 =	vmul.u32 $0x30, v4  }
0x93: {  	v3 =	vand.u32 $0x7, v3  }
0x94: {  	v3 =	vor.u32 v3, v4  }
0x95: {  	v4 =	vperm.xlane v3, v0;
	_ =	sdelay $0x1  }
0x96: {  	v4 =	vadd.s32 v1, v4;
	_ =	sdelay $0x3  }
0x97: {  	s31 =	simm.s32 $0x12200;
	v3 =	vperm.xlane v3, v2  }
0x98: {  	[tilespmem:s31], [sflag:$0x2] =	stream.indirect_vreg.gather [hbm4b:s2+s28], $0x80, v4, vm0, $0xb8;
	[tilespmem:$0x18200] =	vst v63  }
0x99: {  	v3 =	vadd.s32 v1, v3  }
0x9a: {  	[tilespmem:s15], [sflag:$0x2] =	stream.indirect_vreg.gather [hbm4b:s11+s28], $0x80, v4, vm0, $0xb8;
	[tilespmem:$0x18200] =	vst v63  }
0x9b: {  	_ = 	snop  }
0x9c: {  	[tilespmem:s7], [sflag:$0x2] =	stream.indirect_vreg.gather [hbm4b:s12+s28], $0x80, v4, vm0, $0xb8;
	[tilespmem:$0x18200] =	vst v63  }
0x9d: {  	_ = 	snop  }
0x9e: {  	[tilespmem:s8], [sflag:$0x2] =	stream.indirect_vreg.gather [hbm4b:s2+s28], $0x80, v3, vm0, $0xb8;
	[tilespmem:$0x18200] =	vst v63  }
0x9f: {  	_ = 	snop  }
0xa0: {  	[tilespmem:s13], [sflag:$0x2] =	stream.indirect_vreg.gather [hbm4b:s11+s28], $0x80, v3, vm0, $0xb8;
	[tilespmem:$0x18200] =	vst v63  }
0xa1: {  	_ = 	snop  }
0xa2: {  	[tilespmem:s17], [sflag:$0x2] =	stream.indirect_vreg.gather [hbm4b:s12+s28], $0x80, v3, vm0, $0xb8;
	[tilespmem:$0x18200] =	vst v63  }
0xa3: {  	v3 =	vld [tilespmem:s26+$0x130];
	_ =	sdelay $0x4  }
0xa4: {  	v4 =	vshrl.u32 v3, $0x3  }
0xa5: {  	v4 =	vmul.u32 $0x30, v4  }
0xa6: {  	v3 =	vand.u32 $0x7, v3  }
0xa7: {  	v3 =	vor.u32 v3, v4  }
0xa8: {  	v4 =	vperm.xlane v3, v0;
	_ =	sdelay $0x1  }
0xa9: {  	v4 =	vadd.s32 v1, v4;
	_ =	sdelay $0x3  }
0xaa: {  	v3 =	vperm.xlane v3, v2  }
0xab: {  	[tilespmem:s18], [sflag:$0x2] =	stream.indirect_vreg.gather [hbm4b:s2+s28], $0x80, v4, vm0, $0xb8;
	[tilespmem:$0x18200] =	vst v63  }
0xac: {  	v3 =	vadd.s32 v1, v3  }
0xad: {  	[tilespmem:s19], [sflag:$0x2] =	stream.indirect_vreg.gather [hbm4b:s11+s28], $0x80, v4, vm0, $0xb8;
	[tilespmem:$0x18200] =	vst v63  }
0xae: {  	_ = 	snop  }
0xaf: {  	[tilespmem:s20], [sflag:$0x2] =	stream.indirect_vreg.gather [hbm4b:s12+s28], $0x80, v4, vm0, $0xb8;
	[tilespmem:$0x18200] =	vst v63  }
0xb0: {  	_ = 	snop  }
0xb1: {  	[tilespmem:s4], [sflag:$0x2] =	stream.indirect_vreg.gather [hbm4b:s2+s28], $0x80, v3, vm0, $0xb8;
	[tilespmem:$0x18200] =	vst v63  }
0xb2: {  	_ = 	snop  }
0xb3: {  	[tilespmem:s21], [sflag:$0x2] =	stream.indirect_vreg.gather [hbm4b:s11+s28], $0x80, v3, vm0, $0xb8;
	[tilespmem:$0x18200] =	vst v63  }
0xb4: {  	_ = 	snop  }
0xb5: {  	[tilespmem:s22], [sflag:$0x2] =	stream.indirect_vreg.gather [hbm4b:s12+s28], $0x80, v3, vm0, $0xb8;
	[tilespmem:$0x18200] =	vst v63  }
0xb6: {  	_ =	swait.ge [sflag:s23], $0xC000  }
0xb7: {  	[sflag:s23] =	ssyncset.done $0x0  }
0xb8: {  	s29 =	simm.s32 $0x0;
	[sflag:s23] =	ssyncadd.s32 $0xFFFF4000  }
0xb9: {  	s29 =	smul.u32 $0x1800, s29;
	_ =	swait.ge [sflag:s24], $0xC000  }
0xba: {  	s30 =	sand.u32 $0x380, s28;
	[sflag:s24] =	ssyncset.done $0x0  }
0xbb: {  	s29 =	sor.u32 s30, s29;
	[sflag:s24] =	ssyncadd.s32 $0xFFFF4000  }
0xbc: {  	v12 =	vld [tilespmem:s29+$0xC200]  }
0xbd: {  	v13 =	vld [tilespmem:s29+$0xC210]  }
0xbe: {  	v14 =	vld [tilespmem:s29+$0xC220]  }
0xbf: {  	v15 =	vld [tilespmem:s29+$0xC230]  }
0xc0: {  	v16 =	vld [tilespmem:s29+$0xC240]  }
0xc1: {  	v17 =	vld [tilespmem:s29+$0xC250]  }
0xc2: {  	v18 =	vld [tilespmem:s29+$0xC260]  }
0xc3: {  	v19 =	vld [tilespmem:s29+$0xC270]  }
0xc4: {  	v20 =	vld [tilespmem:s29+$0xC600]  }
0xc5: {  	v21 =	vld [tilespmem:s29+$0xC610]  }
0xc6: {  	v22 =	vld [tilespmem:s29+$0xC620]  }
0xc7: {  	v23 =	vld [tilespmem:s29+$0xC630]  }
0xc8: {  	v24 =	vld [tilespmem:s29+$0xC640]  }
0xc9: {  	v25 =	vld [tilespmem:s29+$0xC650]  }
0xca: {  	v26 =	vld [tilespmem:s29+$0xC660]  }
0xcb: {  	v27 =	vld [tilespmem:s29+$0xC670]  }
0xcc: {  	v28 =	vld [tilespmem:s29+$0xCA00]  }
0xcd: {  	v29 =	vld [tilespmem:s29+$0xCA10]  }
0xce: {  	v30 =	vld [tilespmem:s29+$0xCA20]  }
0xcf: {  	v31 =	vld [tilespmem:s29+$0xCA30]  }
0xd0: {  	v32 =	vld [tilespmem:s29+$0xCA40]  }
0xd1: {  	v33 =	vld [tilespmem:s29+$0xCA50]  }
0xd2: {  	v34 =	vld [tilespmem:s29+$0xCA60]  }
0xd3: {  	v35 =	vld [tilespmem:s29+$0xCA70]  }
0xd4: {  	v36 =	vld [tilespmem:s29+$0xCE00]  }
0xd5: {  	v37 =	vld [tilespmem:s29+$0xCE10]  }
0xd6: {  	v38 =	vld [tilespmem:s29+$0xCE20]  }
0xd7: {  	v39 =	vld [tilespmem:s29+$0xCE30]  }
0xd8: {  	v40 =	vld [tilespmem:s29+$0xCE40]  }
0xd9: {  	v41 =	vld [tilespmem:s29+$0xCE50]  }
0xda: {  	v42 =	vld [tilespmem:s29+$0xCE60]  }
0xdb: {  	v43 =	vld [tilespmem:s29+$0xCE70]  }
0xdc: {  	v44 =	vld [tilespmem:s29+$0xD200]  }
0xdd: {  	v45 =	vld [tilespmem:s29+$0xD210]  }
0xde: {  	v46 =	vld [tilespmem:s29+$0xD220]  }
0xdf: {  	v47 =	vld [tilespmem:s29+$0xD230]  }
0xe0: {  	v48 =	vld [tilespmem:s29+$0xD240]  }
0xe1: {  	v49 =	vld [tilespmem:s29+$0xD250]  }
0xe2: {  	v50 =	vld [tilespmem:s29+$0xD260]  }
0xe3: {  	v11 =	vld [tilespmem:s29+$0xD270]  }
0xe4: {  	v10 =	vld [tilespmem:s29+$0xD600]  }
0xe5: {  	v9 =	vld [tilespmem:s29+$0xD610]  }
0xe6: {  	v8 =	vld [tilespmem:s29+$0xD620]  }
0xe7: {  	v7 =	vld [tilespmem:s29+$0xD630]  }
0xe8: {  	v6 =	vld [tilespmem:s29+$0xD640]  }
0xe9: {  	v51 =	vld [tilespmem:s29+$0x200]  }
0xea: {  	v52 =	vld [tilespmem:s29+$0x210]  }
0xeb: {  	v53 =	vld [tilespmem:s29+$0x220]  }
0xec: {  	v54 =	vld [tilespmem:s29+$0x230]  }
0xed: {  	v55 =	vld [tilespmem:s29+$0x240]  }
0xee: {  	v62 =	vld [tilespmem:s29+$0x250];
	v12 =	vadd.f32 v12, v51  }
0xef: {  	v63 =	vld [tilespmem:s29+$0x260];
	v13 =	vadd.f32 v13, v52  }
0xf0: {  	[tilespmem:s29+$0x200] =	vst v12;
	v12 =	vadd.f32 v14, v53;
	v14 =	vld [tilespmem:s29+$0x270]  }
0xf1: {  	[tilespmem:s29+$0x210] =	vst v13;
	v13 =	vadd.f32 v15, v54;
	v15 =	vld [tilespmem:s29+$0x600]  }
0xf2: {  	[tilespmem:s29+$0x220] =	vst v12;
	v12 =	vadd.f32 v16, v55;
	v16 =	vld [tilespmem:s29+$0x610]  }
0xf3: {  	[tilespmem:s29+$0x230] =	vst v13;
	v13 =	vadd.f32 v17, v62;
	v17 =	vld [tilespmem:s29+$0x620]  }
0xf4: {  	v5 =	vld [tilespmem:s29+$0xD650]  }
0xf5: {  	[tilespmem:s29+$0x240] =	vst v12;
	v12 =	vadd.f32 v18, v63;
	v18 =	vld [tilespmem:s29+$0x670]  }
0xf6: {  	[tilespmem:s29+$0x250] =	vst v13;
	v13 =	vadd.f32 v19, v14;
	v14 =	vld [tilespmem:s29+$0x630]  }
0xf7: {  	[tilespmem:s29+$0x260] =	vst v12;
	v12 =	vadd.f32 v20, v15;
	v15 =	vld [tilespmem:s29+$0x640]  }
0xf8: {  	[tilespmem:s29+$0x270] =	vst v13;
	v13 =	vadd.f32 v21, v16;
	v16 =	vadd.f32 v22, v17;
	v17 =	vld [tilespmem:s29+$0x660]  }
0xf9: {  	[tilespmem:s29+$0x600] =	vst v12;
	v12 =	vld [tilespmem:s29+$0x650]  }
0xfa: {  	[tilespmem:s29+$0x610] =	vst v13;
	v13 =	vld [tilespmem:s29+$0xA00];
	v18 =	vadd.f32 v27, v18  }
0xfb: {  	[tilespmem:s29+$0x620] =	vst v16;
	v16 =	vld [tilespmem:s29+$0xA10];
	v14 =	vadd.f32 v23, v14  }
0xfc: {  	v4 =	vld [tilespmem:s29+$0xD660];
	v15 =	vadd.f32 v24, v15;
	[tilespmem:s29+$0x670] =	vst v18  }
0xfd: {  	[tilespmem:s29+$0x630] =	vst v14;
	v14 =	vld [tilespmem:s29+$0xA20];
	v17 =	vadd.f32 v26, v17  }
0xfe: {  	v12 =	vadd.f32 v25, v12;
	[tilespmem:s29+$0x640] =	vst v15;
	v15 =	vld [tilespmem:s29+$0xA30]  }
0xff: {  	v18 =	vld [tilespmem:s29+$0xA70];
	[tilespmem:s29+$0x660] =	vst v17;
	v13 =	vadd.f32 v28, v13  }
0x100: {  	v16 =	vadd.f32 v29, v16;
	[tilespmem:s29+$0x650] =	vst v12;
	v12 =	vld [tilespmem:s29+$0xA40]  }
0x101: {  	v17 =	vld [tilespmem:s29+$0xA50];
	[tilespmem:s29+$0xA00] =	vst v13  }
0x102: {  	[tilespmem:s29+$0xA10] =	vst v16;
	v16 =	vld [tilespmem:s29+$0xA60];
	v13 =	vadd.f32 v30, v14  }
0x103: {  	v14 =	vld [tilespmem:s29+$0xE00];
	v15 =	vadd.f32 v31, v15  }
0x104: {  	[tilespmem:s29+$0xA20] =	vst v13;
	v13 =	vld [tilespmem:s29+$0xE10]  }
0x105: {  	v12 =	vadd.f32 v32, v12;
	[tilespmem:s29+$0xA30] =	vst v15;
	v15 =	vld [tilespmem:s29+$0xE20]  }
0x106: {  	v3 =	vld [tilespmem:s29+$0xD670];
	v17 =	vadd.f32 v33, v17  }
0x107: {  	v16 =	vadd.f32 v34, v16;
	[tilespmem:s29+$0xA40] =	vst v12;
	v12 =	vld [tilespmem:s29+$0xE30]  }
0x108: {  	[tilespmem:s29+$0xA50] =	vst v17;
	v17 =	vld [tilespmem:s29+$0xE40];
	v14 =	vadd.f32 v36, v14  }
0x109: {  	v18 =	vadd.f32 v35, v18;
	[tilespmem:s29+$0xA60] =	vst v16;
	v16 =	vld [tilespmem:s29+$0xE50]  }
0x10a: {  	v13 =	vadd.f32 v37, v13;
	[tilespmem:s29+$0xE00] =	vst v14;
	v14 =	vadd.f32 v38, v15;
	v15 =	vld [tilespmem:s29+$0xE60]  }
0x10b: {  	[tilespmem:s29+$0xA70] =	vst v18;
	v18 =	vld [tilespmem:s29+$0xE70]  }
0x10c: {  	[tilespmem:s29+$0xE10] =	vst v13;
	v13 =	vld [tilespmem:s29+$0x1200];
	v12 =	vadd.f32 v39, v12  }
0x10d: {  	v17 =	vadd.f32 v40, v17;
	[tilespmem:s29+$0xE20] =	vst v14;
	v14 =	vld [tilespmem:s29+$0x1210]  }
0x10e: {  	v16 =	vadd.f32 v41, v16;
	[tilespmem:s29+$0xE30] =	vst v12;
	v12 =	vld [tilespmem:s29+$0x1220]  }
0x10f: {  	[tilespmem:s29+$0xE40] =	vst v17;
	v17 =	vld [tilespmem:s29+$0x1230];
	v15 =	vadd.f32 v42, v15  }
0x110: {  	v19 =	vld [tilespmem:s29+$0x1240];
	[tilespmem:s29+$0xE50] =	vst v16;
	v16 =	vadd.f32 v43, v18  }
0x111: {  	v18 =	vld [tilespmem:s29+$0x1250];
	v13 =	vadd.f32 v44, v13;
	[tilespmem:s29+$0xE60] =	vst v15  }
0x112: {  	v20 =	vld [tilespmem:s29+$0x1260];
	[tilespmem:s29+$0xE70] =	vst v16;
	v14 =	vadd.f32 v45, v14  }
0x113: {  	v16 =	vld [tilespmem:s29+$0x1270];
	[tilespmem:s29+$0x1200] =	vst v13;
	v12 =	vadd.f32 v46, v12  }
0x114: {  	v15 =	vld [tilespmem:s29+$0x1600];
	v13 =	vadd.f32 v47, v17;
	[tilespmem:s29+$0x1210] =	vst v14  }
0x115: {  	v14 =	vld [tilespmem:s29+$0x1610];
	[tilespmem:s29+$0x1220] =	vst v12;
	v12 =	vadd.f32 v48, v19  }
0x116: {  	[tilespmem:s29+$0x1230] =	vst v13;
	v13 =	vld [tilespmem:s29+$0x1620];
	v18 =	vadd.f32 v49, v18  }
0x117: {  	s30 =	simm.s32 $0x1;
	v17 =	vadd.f32 v50, v20;
	[tilespmem:s29+$0x1240] =	vst v12;
	v12 =	vld [tilespmem:s29+$0x1630]  }
.LBB2_3:
0x118: {  	s31 =	sshrl.u32 s30, $0x3;
	p0 =	sne.s32 s30, $0x3F;
	[tilespmem:s29+$0x1250] =	vst v18;
	v11 =	vadd.f32 v11, v16;
	v16 =	vld [tilespmem:s29+$0x1640]  }
0x119: {  	s28 =	sadd.s32 $0x80, s28;
	s31 =	smul.u32 $0x1800, s31;
	[tilespmem:s29+$0x1260] =	vst v17;
	v10 =	vadd.f32 v10, v15;
	v15 =	vld [tilespmem:s29+$0x1650]  }
0x11a: {  	s0 =	sand.u32 $0x380, s28;
	[tilespmem:s29+$0x1270] =	vst v11;
	v9 =	vadd.f32 v9, v14;
	v11 =	vld [tilespmem:s29+$0x1660]  }
0x11b: {  	s0 =	sor.u32 s0, s31;
	[tilespmem:s29+$0x1600] =	vst v10;
	v8 =	vadd.f32 v8, v13;
	v10 =	vld [tilespmem:s29+$0x1670]  }
0x11c: {  	v39 =	vld [tilespmem:s0+$0xC200];
	[tilespmem:s29+$0x1610] =	vst v9;
	v7 =	vadd.f32 v7, v12  }
0x11d: {  	v40 =	vld [tilespmem:s0+$0xC210];
	[tilespmem:s29+$0x1620] =	vst v8;
	v6 =	vadd.f32 v6, v16  }
0x11e: {  	v41 =	vld [tilespmem:s0+$0xC220];
	[tilespmem:s29+$0x1630] =	vst v7;
	v5 =	vadd.f32 v5, v15  }
0x11f: {  	v42 =	vld [tilespmem:s0+$0xC230];
	[tilespmem:s29+$0x1640] =	vst v6;
	v4 =	vadd.f32 v4, v11  }
0x120: {  	v43 =	vld [tilespmem:s0+$0xC240];
	[tilespmem:s29+$0x1650] =	vst v5;
	v3 =	vadd.f32 v3, v10  }
0x121: {  	v44 =	vld [tilespmem:s0+$0xC250];
	[tilespmem:s29+$0x1660] =	vst v4  }
0x122: {  	v45 =	vld [tilespmem:s0+$0xC260];
	[tilespmem:s29+$0x1670] =	vst v3;
	s29 =	smov.u32 s0  }
0x123: {  	v46 =	vld [tilespmem:s29+$0xC270]  }
0x124: {  	v47 =	vld [tilespmem:s29+$0xC600]  }
0x125: {  	v48 =	vld [tilespmem:s29+$0xC610]  }
0x126: {  	v49 =	vld [tilespmem:s29+$0xC620]  }
0x127: {  	v50 =	vld [tilespmem:s29+$0xC630]  }
0x128: {  	v38 =	vld [tilespmem:s29+$0xC640]  }
0x129: {  	v37 =	vld [tilespmem:s29+$0xC650]  }
0x12a: {  	v36 =	vld [tilespmem:s29+$0xC660]  }
0x12b: {  	v35 =	vld [tilespmem:s29+$0xC670]  }
0x12c: {  	v34 =	vld [tilespmem:s29+$0xCA00]  }
0x12d: {  	v33 =	vld [tilespmem:s29+$0xCA10]  }
0x12e: {  	v32 =	vld [tilespmem:s29+$0xCA20]  }
0x12f: {  	v31 =	vld [tilespmem:s29+$0xCA30]  }
0x130: {  	v30 =	vld [tilespmem:s29+$0xCA40]  }
0x131: {  	v29 =	vld [tilespmem:s29+$0xCA50]  }
0x132: {  	v28 =	vld [tilespmem:s29+$0xCA60]  }
0x133: {  	v27 =	vld [tilespmem:s29+$0xCA70]  }
0x134: {  	v26 =	vld [tilespmem:s29+$0xCE00]  }
0x135: {  	v25 =	vld [tilespmem:s29+$0xCE10]  }
0x136: {  	v24 =	vld [tilespmem:s29+$0xCE20]  }
0x137: {  	v23 =	vld [tilespmem:s29+$0xCE30]  }
0x138: {  	v22 =	vld [tilespmem:s29+$0xCE40]  }
0x139: {  	v21 =	vld [tilespmem:s29+$0xCE50]  }
0x13a: {  	v20 =	vld [tilespmem:s29+$0xCE60]  }
0x13b: {  	v19 =	vld [tilespmem:s29+$0xCE70]  }
0x13c: {  	v18 =	vld [tilespmem:s29+$0xD200]  }
0x13d: {  	v17 =	vld [tilespmem:s29+$0xD210]  }
0x13e: {  	v16 =	vld [tilespmem:s29+$0xD220]  }
0x13f: {  	v15 =	vld [tilespmem:s29+$0xD230]  }
0x140: {  	v14 =	vld [tilespmem:s29+$0xD240]  }
0x141: {  	v13 =	vld [tilespmem:s29+$0xD250]  }
0x142: {  	v12 =	vld [tilespmem:s29+$0xD260]  }
0x143: {  	v11 =	vld [tilespmem:s29+$0xD270]  }
0x144: {  	v10 =	vld [tilespmem:s29+$0xD600]  }
0x145: {  	v9 =	vld [tilespmem:s29+$0xD610]  }
0x146: {  	v8 =	vld [tilespmem:s29+$0xD620]  }
0x147: {  	v7 =	vld [tilespmem:s29+$0xD630]  }
0x148: {  	v6 =	vld [tilespmem:s29+$0xD640]  }
0x149: {  	v5 =	vld [tilespmem:s29+$0xD650]  }
0x14a: {  	v4 =	vld [tilespmem:s29+$0xD660]  }
0x14b: {  	v3 =	vld [tilespmem:s29+$0xD670]  }
0x14c: {  	v51 =	vld [tilespmem:s29+$0x200]  }
0x14d: {  	v52 =	vld [tilespmem:s29+$0x210]  }
0x14e: {  	v53 =	vld [tilespmem:s29+$0x220]  }
0x14f: {  	v54 =	vld [tilespmem:s29+$0x230]  }
0x150: {  	v55 =	vld [tilespmem:s29+$0x240]  }
0x151: {  	v39 =	vadd.f32 v39, v51;
	v51 =	vld [tilespmem:s29+$0x250]  }
0x152: {  	v40 =	vadd.f32 v40, v52;
	v52 =	vld [tilespmem:s29+$0x260]  }
0x153: {  	[tilespmem:s29+$0x200] =	vst v39;
	v39 =	vadd.f32 v41, v53;
	v41 =	vld [tilespmem:s29+$0x270]  }
0x154: {  	[tilespmem:s29+$0x210] =	vst v40;
	v40 =	vadd.f32 v42, v54;
	v42 =	vld [tilespmem:s29+$0x600]  }
0x155: {  	[tilespmem:s29+$0x220] =	vst v39;
	v39 =	vadd.f32 v43, v55;
	v43 =	vld [tilespmem:s29+$0x610]  }
0x156: {  	[tilespmem:s29+$0x230] =	vst v40;
	v40 =	vadd.f32 v44, v51;
	v44 =	vld [tilespmem:s29+$0x620]  }
0x157: {  	[tilespmem:s29+$0x240] =	vst v39;
	v39 =	vadd.f32 v45, v52;
	v45 =	vld [tilespmem:s29+$0x630]  }
0x158: {  	[tilespmem:s29+$0x250] =	vst v40;
	v40 =	vadd.f32 v46, v41;
	v41 =	vld [tilespmem:s29+$0x640]  }
0x159: {  	[tilespmem:s29+$0x260] =	vst v39;
	v39 =	vadd.f32 v47, v42;
	v42 =	vld [tilespmem:s29+$0x650]  }
0x15a: {  	[tilespmem:s29+$0x270] =	vst v40;
	v40 =	vadd.f32 v48, v43;
	v43 =	vld [tilespmem:s29+$0x660]  }
0x15b: {  	[tilespmem:s29+$0x600] =	vst v39;
	v39 =	vadd.f32 v49, v44;
	v44 =	vld [tilespmem:s29+$0x670]  }
0x15c: {  	[tilespmem:s29+$0x610] =	vst v40;
	v40 =	vadd.f32 v50, v45;
	v45 =	vld [tilespmem:s29+$0xA00]  }
0x15d: {  	[tilespmem:s29+$0x620] =	vst v39;
	v38 =	vadd.f32 v38, v41;
	v39 =	vld [tilespmem:s29+$0xA10]  }
0x15e: {  	[tilespmem:s29+$0x630] =	vst v40;
	v37 =	vadd.f32 v37, v42;
	v40 =	vld [tilespmem:s29+$0xA20]  }
0x15f: {  	[tilespmem:s29+$0x640] =	vst v38;
	v36 =	vadd.f32 v36, v43;
	v38 =	vld [tilespmem:s29+$0xA30]  }
0x160: {  	[tilespmem:s29+$0x650] =	vst v37;
	v35 =	vadd.f32 v35, v44;
	v37 =	vld [tilespmem:s29+$0xA40]  }
0x161: {  	[tilespmem:s29+$0x660] =	vst v36;
	v34 =	vadd.f32 v34, v45;
	v36 =	vld [tilespmem:s29+$0xA50]  }
0x162: {  	[tilespmem:s29+$0x670] =	vst v35;
	v33 =	vadd.f32 v33, v39;
	v35 =	vld [tilespmem:s29+$0xA60]  }
0x163: {  	[tilespmem:s29+$0xA00] =	vst v34;
	v32 =	vadd.f32 v32, v40;
	v34 =	vld [tilespmem:s29+$0xA70]  }
0x164: {  	[tilespmem:s29+$0xA10] =	vst v33;
	v31 =	vadd.f32 v31, v38;
	v33 =	vld [tilespmem:s29+$0xE00]  }
0x165: {  	[tilespmem:s29+$0xA20] =	vst v32;
	v30 =	vadd.f32 v30, v37;
	v32 =	vld [tilespmem:s29+$0xE10]  }
0x166: {  	[tilespmem:s29+$0xA30] =	vst v31;
	v29 =	vadd.f32 v29, v36;
	v31 =	vld [tilespmem:s29+$0xE20]  }
0x167: {  	[tilespmem:s29+$0xA40] =	vst v30;
	v28 =	vadd.f32 v28, v35;
	v30 =	vld [tilespmem:s29+$0xE30]  }
0x168: {  	[tilespmem:s29+$0xA50] =	vst v29;
	v27 =	vadd.f32 v27, v34;
	v29 =	vld [tilespmem:s29+$0xE40]  }
0x169: {  	[tilespmem:s29+$0xA60] =	vst v28;
	v26 =	vadd.f32 v26, v33;
	v28 =	vld [tilespmem:s29+$0xE50]  }
0x16a: {  	[tilespmem:s29+$0xA70] =	vst v27;
	v25 =	vadd.f32 v25, v32;
	v27 =	vld [tilespmem:s29+$0xE60]  }
0x16b: {  	[tilespmem:s29+$0xE00] =	vst v26;
	v24 =	vadd.f32 v24, v31;
	v26 =	vld [tilespmem:s29+$0xE70]  }
0x16c: {  	[tilespmem:s29+$0xE10] =	vst v25;
	v23 =	vadd.f32 v23, v30;
	v25 =	vld [tilespmem:s29+$0x1200]  }
0x16d: {  	[tilespmem:s29+$0xE20] =	vst v24;
	v22 =	vadd.f32 v22, v29;
	v24 =	vld [tilespmem:s29+$0x1210]  }
0x16e: {  	[tilespmem:s29+$0xE30] =	vst v23;
	v21 =	vadd.f32 v21, v28;
	v23 =	vld [tilespmem:s29+$0x1220]  }
0x16f: {  	[tilespmem:s29+$0xE40] =	vst v22;
	v20 =	vadd.f32 v20, v27;
	v22 =	vld [tilespmem:s29+$0x1230]  }
0x170: {  	[tilespmem:s29+$0xE50] =	vst v21;
	v19 =	vadd.f32 v19, v26;
	v21 =	vld [tilespmem:s29+$0x1240]  }
0x171: {  	[tilespmem:s29+$0xE60] =	vst v20;
	v18 =	vadd.f32 v18, v25;
	v20 =	vld [tilespmem:s29+$0x1250]  }
0x172: {  	[tilespmem:s29+$0xE70] =	vst v19;
	v17 =	vadd.f32 v17, v24;
	v19 =	vld [tilespmem:s29+$0x1260]  }
.Ltmp0:
0x173: {  	[tilespmem:s29+$0x1200] =	vst v18;
	v18 =	vadd.f32 v16, v23;
	v16 =	vld [tilespmem:s29+$0x1270];
	(pc) =	sbr.rel @p0 .LBB2_3-.Ltmp0, $4  }
0x174: {  	[tilespmem:s29+$0x1210] =	vst v17;
	v17 =	vadd.f32 v15, v22;
	v15 =	vld [tilespmem:s29+$0x1600]  }
0x175: {  	[tilespmem:s29+$0x1220] =	vst v18;
	v21 =	vadd.f32 v14, v21;
	v14 =	vld [tilespmem:s29+$0x1610]  }
0x176: {  	[tilespmem:s29+$0x1230] =	vst v17;
	v18 =	vadd.f32 v13, v20;
	v13 =	vld [tilespmem:s29+$0x1620]  }
0x177: {  	s30 =	sadd.s32 $0x1, s30;
	[tilespmem:s29+$0x1240] =	vst v21;
	v17 =	vadd.f32 v12, v19;
	v12 =	vld [tilespmem:s29+$0x1630]  }
0x178: {  	[tilespmem:s29+$0x1250] =	vst v18;
	v60 =	vld [tilespmem:s29+$0x1640];
	v11 =	vadd.f32 v11, v16  }
0x179: {  	v61 =	vld [tilespmem:s29+$0x1650];
	[tilespmem:s29+$0x1260] =	vst v17;
	v10 =	vadd.f32 v10, v15  }
0x17a: {  	v62 =	vld [tilespmem:s29+$0x1660];
	[tilespmem:s29+$0x1270] =	vst v11;
	v9 =	vadd.f32 v9, v14  }
0x17b: {  	v63 =	vld [tilespmem:s29+$0x1670];
	[tilespmem:s29+$0x1600] =	vst v10;
	v8 =	vadd.f32 v8, v13  }
0x17c: {  	[tilespmem:s29+$0x1610] =	vst v9;
	v7 =	vadd.f32 v7, v12  }
0x17d: {  	[tilespmem:s29+$0x1620] =	vst v8;
	v6 =	vadd.f32 v6, v60  }
0x17e: {  	s0 =	sor.u32 s5, s26;
	v5 =	vadd.f32 v5, v61;
	[tilespmem:s29+$0x1630] =	vst v7  }
0x17f: {  	s0 =	sshrl.u32 s0, $0x3;
	v4 =	vadd.f32 v4, v62;
	[tilespmem:s29+$0x1640] =	vst v6  }
0x180: {  	s25 =	sadd.s32 $0x1, s25;
	s0 =	smul.u32 $0x300, s0;
	v3 =	vadd.f32 v3, v63;
	[tilespmem:s29+$0x1650] =	vst v5  }
0x181: {  	p0 =	sne.s32 s25, $0x4;
	[tilespmem:s29+$0x1660] =	vst v4  }
.Ltmp1:
0x182: {  	s0 =	sadd.s32 s6, s0;
	[tilespmem:s29+$0x1670] =	vst v3;
	(pc) =	sbr.rel @p0 .LBB2_2-.Ltmp1, $4  }
0x183: {  	[hbm4b:s0+s3] =	stream.linear.scatter [tilespmem:s16], [sflag:$0x3], $0xC000, $0x38;
	[tilespmem:$0x18200] =	vst v63  }
0x184: {  	_ =	swait.ge [sflag:s14], $0xC000  }
0x185: {  	[sflag:s14] =	ssyncset.done $0x0  }
0x186: {  	[sflag:s14] =	ssyncadd.s32 $0xFFFF4000  }
0x187: {  	s3 =	rddreg [dreg:$0x8]  }
0x188: {  	s0 =	rddreg [dreg:$0x7];
	s3 =	sadd.s32 $0x1, s3  }
0x189: {  	p0 =	sne.s32 s3, s0  }
.Ltmp2:
0x18a: {  	_ = 	snop;
	(pc) =	sbr.rel @p0 .LBB2_1-.Ltmp2, $1  }
0x18b: {  	_ =	sdelay $0x3  }
0x18c: {  	_ =	sfence.sel $0x180000  }
0x18d: {  	[bflag:$0x0] =	sbarrier.arrive $0xFFFF  }
0x18e: {  	_ =	strace $0x90000047  }
0x18f: {  	s0 =	stileid.u32;
	[bflag:$0x2] =	sbarrier.arrive $0xFFFF  }
0x190: {  	p0 =	sne.s32 s0, $0x0;
	s0 =	rddreg [dreg:$0x4]  }
0x191: {  	s0 =	sadd.s32 @!p0 $0x100000, s0  }
0x192: {  	[sflag:s0] =	ssyncadd.tile.s32 @!p0 $0x1;
	_ =	shalt  }
.Lfunc_end2:
_tile_overlayer_lowered:
.L_overlay_start_2:
0x193: {  	(tag) =	ssettag $0x2  }
0x194: {  	s0 =	rddreg [dreg:$0x0];
	s2 =	stileid.u32  }
0x195: {  	s1 =	rddreg [dreg:$0x1];
	p0 =	sne.s32 s2, $0x0  }
0x196: {  	s3 =	rddreg [dreg:$0x2];
	[bflag:$0x3] =	sbarrier.arrive $0xFFFF;
	s2 =	simm.s32 @!p0 $0x1C03  }
0x197: {  	[timem:s3], [sflag:s2] =	dma.local @!p0 [hbm:s0], s1  }
0x198: {  	s0 =	simm.s32 @!p0 $0x3  }
0x199: {  	_ =	swait.ge @!p0 [sflag:s0], s1  }
0x19a: {  	s1 =	ssub.s32 @!p0 $0x0, s1;
	[sflag:s0] =	ssyncset.done @!p0 $0x0  }
0x19b: {  	[sflag:s0] =	ssyncadd.s32 @!p0 s1  }
0x19c: {  	[bflag:$0x3] =	sbarrier.arrive $0xFFFF  }
0x19d: {  	_ =	shalt  }

</sc_bundles>
